<compile_context>
chip_gen: v7x
topology: tpu7x:2x2x1
jax: 0.10.2.dev20260603
libtpu: 0.0.44.dev20260713+nightly
codegen_flags: <defaults>
</compile_context>

<pallas_src>
import jax
import jax.numpy as jnp
from jax import lax
from jax.experimental import pallas as pl
from jax.experimental.pallas import tpu as pltpu
from jax.experimental.pallas import tpu_sc as plsc

N = 10000
E = 320000
D = 128

NC = 2
NS = 16
NW = NC * NS
EPT = E // NW
NP = 10240
RPS = NP // NS
CHUNK = 128
NFULL = EPT // CHUNK
TAIL = EPT - NFULL * CHUNK
CW = 16

_mesh = plsc.VectorSubcoreMesh(core_axis_name="c", subcore_axis_name="s")
_sc_params = pltpu.CompilerParams(use_tc_tiling_on_sc=False)


def _degree_body(ei_hbm, zeros_hbm, ones_hbm,
                 scnt_hbm, dcnt_hbm, sidx_v, didx_v, ones_v,
                 scnt_sh, dcnt_sh, ssem, dsem):
    c = lax.axis_index("c")
    s = lax.axis_index("s")
    wid = c * NS + s
    base0 = wid * EPT
    pltpu.sync_copy(ones_hbm, ones_v)
    pltpu.sync_copy(ei_hbm.at[0, pl.ds(base0, EPT)], sidx_v)
    pltpu.sync_copy(ei_hbm.at[1, pl.ds(base0, EPT)], didx_v)
    pltpu.sync_copy(zeros_hbm, scnt_sh.at[pl.ds(s * RPS, RPS)])
    pltpu.sync_copy(zeros_hbm, dcnt_sh.at[pl.ds(s * RPS, RPS)])
    plsc.subcore_barrier()

    @pl.loop(0, NFULL)
    def _(i):
        e = i * CHUNK
        a = pltpu.async_copy(
            ones_v, scnt_sh.at[sidx_v.at[pl.ds(e, CHUNK)]], ssem, add=True)
        b = pltpu.async_copy(
            ones_v, dcnt_sh.at[didx_v.at[pl.ds(e, CHUNK)]], dsem, add=True)
        a.wait()
        b.wait()

    e = NFULL * CHUNK
    a = pltpu.async_copy(
        ones_v.at[pl.ds(0, TAIL)], scnt_sh.at[sidx_v.at[pl.ds(e, TAIL)]],
        ssem, add=True)
    b = pltpu.async_copy(
        ones_v.at[pl.ds(0, TAIL)], dcnt_sh.at[didx_v.at[pl.ds(e, TAIL)]],
        dsem, add=True)
    a.wait()
    b.wait()

    plsc.subcore_barrier()
    rows = pl.ds(s * RPS, RPS)
    pltpu.sync_copy(scnt_sh.at[rows], scnt_hbm.at[c, rows])
    pltpu.sync_copy(dcnt_sh.at[rows], dcnt_hbm.at[c, rows])


def _degrees(edge_index):
    zeros = jnp.zeros((RPS, CW), jnp.float32)
    ones = jnp.ones((CHUNK, CW), jnp.float32)
    f = pl.kernel(
        _degree_body,
        out_type=(jax.ShapeDtypeStruct((NC, NP, CW), jnp.float32),
                  jax.ShapeDtypeStruct((NC, NP, CW), jnp.float32)),
        mesh=_mesh,
        scratch_types=[
            pltpu.VMEM((EPT,), jnp.int32),
            pltpu.VMEM((EPT,), jnp.int32),
            pltpu.VMEM((CHUNK, CW), jnp.float32),
            pltpu.VMEM_SHARED((NP, CW), jnp.float32),
            pltpu.VMEM_SHARED((NP, CW), jnp.float32),
            pltpu.SemaphoreType.DMA,
            pltpu.SemaphoreType.DMA,
        ],
        compiler_params=_sc_params,
    )
    return f(edge_index, zeros, ones)


def _seg_body(h_hbm, ei_hbm, zeros_hbm, out_hbm,
              sidx_v, db0_v, db1_v, dt_v, rows0_v, rows1_v, acc_sh,
              gsem0, gsem1, dsem0, dsem1):
    c = lax.axis_index("c")
    s = lax.axis_index("s")
    wid = c * NS + s
    base0 = wid * EPT

    def sidx(i):
        return sidx_v.at[pl.ds(i * CHUNK, CHUNK)]

    def didx(i):
        return ei_hbm.at[1, pl.ds(base0 + i * CHUNK, CHUNK)]

    pltpu.sync_copy(ei_hbm.at[0, pl.ds(base0, EPT)], sidx_v)
    pltpu.sync_copy(zeros_hbm, acc_sh.at[pl.ds(s * RPS, RPS)])
    plsc.subcore_barrier()

    pltpu.async_copy(didx(0), db0_v, dsem0)
    pltpu.async_copy(h_hbm.at[sidx(0)], rows0_v, gsem0)

    @pl.loop(0, NFULL // 2)
    def _(g2):
        a = 2 * g2
        pltpu.async_copy(didx(a + 1), db1_v, dsem1)
        pltpu.async_copy(h_hbm.at[sidx(a + 1)], rows1_v, gsem1)
        pltpu.make_async_copy(didx(0), db0_v, dsem0).wait()
        pltpu.make_async_copy(h_hbm.at[sidx(0)], rows0_v, gsem0).wait()
        pltpu.sync_copy(rows0_v, acc_sh.at[db0_v], add=True)
        nxt = jnp.minimum(a + 2, NFULL - 1)
        pltpu.async_copy(didx(nxt), db0_v, dsem0)
        pltpu.async_copy(h_hbm.at[sidx(nxt)], rows0_v, gsem0)
        pltpu.make_async_copy(didx(0), db1_v, dsem1).wait()
        pltpu.make_async_copy(h_hbm.at[sidx(0)], rows1_v, gsem1).wait()
        pltpu.sync_copy(rows1_v, acc_sh.at[db1_v], add=True)

    pltpu.make_async_copy(didx(0), db0_v, dsem0).wait()
    pltpu.make_async_copy(h_hbm.at[sidx(0)], rows0_v, gsem0).wait()
    e = NFULL * CHUNK
    pltpu.sync_copy(ei_hbm.at[1, pl.ds(base0 + e, TAIL)], dt_v)
    pltpu.sync_copy(h_hbm.at[sidx_v.at[pl.ds(e, TAIL)]],
                    rows0_v.at[pl.ds(0, TAIL)])
    pltpu.sync_copy(rows0_v.at[pl.ds(0, TAIL)], acc_sh.at[dt_v], add=True)

    plsc.subcore_barrier()
    rows = pl.ds(s * RPS, RPS)
    pltpu.sync_copy(acc_sh.at[rows], out_hbm.at[c, rows])


def _seg_sum(h, edge_index):
    zeros = jnp.zeros((RPS, D), jnp.float32)
    f = pl.kernel(
        _seg_body,
        out_type=jax.ShapeDtypeStruct((NC, NP, D), jnp.float32),
        mesh=_mesh,
        scratch_types=[
            pltpu.VMEM((EPT,), jnp.int32),
            pltpu.VMEM((CHUNK,), jnp.int32),
            pltpu.VMEM((CHUNK,), jnp.int32),
            pltpu.VMEM((TAIL,), jnp.int32),
            pltpu.VMEM((CHUNK, D), jnp.float32),
            pltpu.VMEM((CHUNK, D), jnp.float32),
            pltpu.VMEM_SHARED((NP, D), jnp.float32),
            pltpu.SemaphoreType.DMA,
            pltpu.SemaphoreType.DMA,
            pltpu.SemaphoreType.DMA,
            pltpu.SemaphoreType.DMA,
        ],
        compiler_params=_sc_params,
    )
    return f(h, edge_index, zeros)


RB = 2000
GRID = N // RB


def _mm_body(x_ref, w_ref, o_ref):
    o_ref[...] = jnp.dot(x_ref[...], w_ref[...],
                         preferred_element_type=jnp.float32,
                         precision=lax.Precision.HIGHEST)


def _matmul(x, w):
    return pl.pallas_call(
        _mm_body,
        grid=(GRID,),
        in_specs=[pl.BlockSpec((RB, D), lambda i: (i, 0)),
                  pl.BlockSpec((D, D), lambda i: (0, 0))],
        out_specs=pl.BlockSpec((RB, D), lambda i: (i, 0)),
        out_shape=jax.ShapeDtypeStruct((N, D), jnp.float32),
    )(x, w)


def _norm_scale_body(scnt_ref, dcnt_ref, h_ref, h_out, onorm_out, inorm_out,
                     cnt_v, sem):
    i = pl.program_id(0)

    @pl.when(i == 0)
    def _():
        pltpu.make_async_copy(scnt_ref, cnt_v.at[0], sem).start()
        pltpu.make_async_copy(dcnt_ref, cnt_v.at[1], sem).start()
        pltpu.make_async_copy(scnt_ref, cnt_v.at[0], sem).wait()
        pltpu.make_async_copy(dcnt_ref, cnt_v.at[1], sem).wait()

    r = pl.ds(i * RB, RB)
    sdeg = cnt_v[0, 0, r, 0:1] + cnt_v[0, 1, r, 0:1]
    ddeg = cnt_v[1, 0, r, 0:1] + cnt_v[1, 1, r, 0:1]
    onorm = lax.rsqrt(jnp.maximum(sdeg, 1.0))
    inorm = lax.rsqrt(jnp.maximum(ddeg, 1.0))
    onorm_out[...] = onorm
    inorm_out[...] = inorm
    h_out[...] = h_ref[...] * onorm


def _norm_scale(scnt, dcnt, h_raw):
    return pl.pallas_call(
        _norm_scale_body,
        grid=(GRID,),
        in_specs=[pl.BlockSpec(memory_space=pl.ANY),
                  pl.BlockSpec(memory_space=pl.ANY),
                  pl.BlockSpec((RB, D), lambda i: (i, 0))],
        out_specs=[pl.BlockSpec((RB, D), lambda i: (i, 0)),
                   pl.BlockSpec((RB, 1), lambda i: (i, 0)),
                   pl.BlockSpec((RB, 1), lambda i: (i, 0))],
        out_shape=[jax.ShapeDtypeStruct((N, D), jnp.float32),
                   jax.ShapeDtypeStruct((N, 1), jnp.float32),
                   jax.ShapeDtypeStruct((N, 1), jnp.float32)],
        scratch_shapes=[pltpu.VMEM((2, NC, NP, CW), jnp.float32),
                        pltpu.SemaphoreType.DMA],
    )(scnt, dcnt, h_raw)


def _mid_body(p_ref, inorm_ref, onorm_ref, b1_ref, w2_ref, h2_out):
    x = (p_ref[0] + p_ref[1]) * inorm_ref[...] + b1_ref[...]
    x = jnp.maximum(x, 0.0) * onorm_ref[...]
    h2_out[...] = jnp.dot(x, w2_ref[...],
                          preferred_element_type=jnp.float32,
                          precision=lax.Precision.HIGHEST)


def _mid(p, inorm, onorm, b1, w2):
    return pl.pallas_call(
        _mid_body,
        grid=(GRID,),
        in_specs=[pl.BlockSpec((NC, RB, D), lambda i: (0, i, 0)),
                  pl.BlockSpec((RB, 1), lambda i: (i, 0)),
                  pl.BlockSpec((RB, 1), lambda i: (i, 0)),
                  pl.BlockSpec((1, D), lambda i: (0, 0)),
                  pl.BlockSpec((D, D), lambda i: (0, 0))],
        out_specs=pl.BlockSpec((RB, D), lambda i: (i, 0)),
        out_shape=jax.ShapeDtypeStruct((N, D), jnp.float32),
    )(p, inorm, onorm, b1, w2)


def _final_body(q_ref, inorm_ref, b2_ref, o_ref):
    o_ref[...] = (q_ref[0] + q_ref[1]) * inorm_ref[...] + b2_ref[...]


def _final(q, inorm, b2):
    return pl.pallas_call(
        _final_body,
        grid=(GRID,),
        in_specs=[pl.BlockSpec((NC, RB, D), lambda i: (0, i, 0)),
                  pl.BlockSpec((RB, 1), lambda i: (i, 0)),
                  pl.BlockSpec((1, D), lambda i: (0, 0))],
        out_specs=pl.BlockSpec((RB, D), lambda i: (i, 0)),
        out_shape=jax.ShapeDtypeStruct((N, D), jnp.float32),
    )(q, inorm, b2)


def kernel(features, edge_index, W1, b1, W2, b2):
    scnt, dcnt = _degrees(edge_index)
    h1_raw = _matmul(features, W1)
    h1, onorm, inorm = _norm_scale(scnt, dcnt, h1_raw)
    p = _seg_sum(h1, edge_index)
    h2 = _mid(p, inorm, onorm, b1.reshape(1, D), W2)
    q = _seg_sum(h2, edge_index)
    return _final(q, inorm, b2.reshape(1, D))

# --- scband reference (transcript-rebuilt; emitter-appended) ---
"""Pipeline reference for scband-gnnmodel-55946243998129 (READ-ONLY COPY).

The authoritative reference and input builder live on the scoring server;
editing this copy changes nothing except your own understanding.
"""

import jax, jax.numpy as jnp
import numpy as np

N = 10000
E = 320000
D_IN = 128
D_HID = 128
D_OUT = 128


def setup_inputs(seed: int = 0) -> dict:
    key = jax.random.key(seed)
    k1, k2, k3, k4, k5, k6 = jax.random.split(key, 6)
    features = jax.random.normal(k1, (N, D_IN), dtype=jnp.float32)
    edge_index = jax.random.randint(k2, (2, E), 0, N, dtype=jnp.int32)
    W1 = jax.random.normal(k3, (D_IN, D_HID), dtype=jnp.float32) * (1.0 / np.sqrt(D_IN))
    b1 = jnp.zeros((D_HID,), dtype=jnp.float32)
    W2 = jax.random.normal(k4, (D_HID, D_OUT), dtype=jnp.float32) * (1.0 / np.sqrt(D_HID))
    b2 = jnp.zeros((D_OUT,), dtype=jnp.float32)
    return {"features": features, "edge_index": edge_index, "W1": W1, "b1": b1, "W2": W2, "b2": b2}


def _graph_conv(feat, src, dst, W, b, out_norm, in_norm):
    # DGL GraphConv with norm='both': D_dst^{-1/2} A D_src^{-1/2} X W + b
    h = feat * out_norm[:, None]
    h = h @ W
    msgs = jnp.take(h, src, axis=0)
    rst = jax.ops.segment_sum(msgs, dst, num_segments=N)
    rst = rst * in_norm[:, None]
    return rst + b


def reference(features, edge_index, W1, b1, W2, b2):
    src = edge_index[0]
    dst = edge_index[1]
    out_deg = jnp.maximum(jnp.bincount(src, length=N), 1).astype(jnp.float32)
    in_deg = jnp.maximum(jnp.bincount(dst, length=N), 1).astype(jnp.float32)
    out_norm = out_deg ** -0.5
    in_norm = in_deg ** -0.5
    x = _graph_conv(features, src, dst, W1, b1, out_norm, in_norm)
    x = jax.nn.relu(x)
    x = _graph_conv(x, src, dst, W2, b2, out_norm, in_norm)
    return x

if __name__ == "__main__":
    import jax
    _d = setup_inputs()
    print(jax.jit(kernel)(*tuple(_d.values())))

</pallas_src>

<mosaic_0001>
#map = affine_map<(d0, d1) -> (0, 0)>
#map1 = affine_map<(d0, d1) -> (0, 0, 0)>
module attributes {stable_mosaic.version = 14 : i64} {
  func.func @_seg_body(%arg0: i32, %arg1: i32, %arg2: memref<10000x128xf32, #tpu.memory_space<hbm>>, %arg3: memref<2x320000xi32, #tpu.memory_space<hbm>>, %arg4: memref<640x128xf32, #tpu.memory_space<hbm>>, %arg5: memref<2x10240x128xf32, #tpu.memory_space<hbm>>, %arg6: memref<10000xi32, #tpu.memory_space<vmem>>, %arg7: memref<128xi32, #tpu.memory_space<vmem>>, %arg8: memref<128xi32, #tpu.memory_space<vmem>>, %arg9: memref<16xi32, #tpu.memory_space<vmem>>, %arg10: memref<128x128xf32, #tpu.memory_space<vmem>>, %arg11: memref<128x128xf32, #tpu.memory_space<vmem>>, %arg12: memref<10240x128xf32, #tpu.memory_space<vmem_shared>>, %arg13: memref<!tpu.dma_semaphore, #tpu.memory_space<semaphore_mem>>, %arg14: memref<!tpu.dma_semaphore, #tpu.memory_space<semaphore_mem>>, %arg15: memref<!tpu.dma_semaphore, #tpu.memory_space<semaphore_mem>>, %arg16: memref<!tpu.dma_semaphore, #tpu.memory_space<semaphore_mem>>) attributes {dimension_semantics = [#tpu.dimension_semantics<core_parallel>, #tpu.dimension_semantics<subcore_parallel>], iteration_bounds = array<i64: 2, 16>, scalar_prefetch = 0 : i64, scratch_operands = 11 : i64, tpu.core_type = #tpu.core_type<sc_vector_subcore>, window_params = [{transform_indices = #map}, {transform_indices = #map}, {transform_indices = #map}, {transform_indices = #map1}]} {
    %mul3A = arith.constant 16 : i32
    %mul3A_0 = arith.muli %arg0, %mul3A : i32
    %add3A = arith.addi %mul3A_0, %arg1 : i32
    %mul3A_1 = arith.constant 10000 : i32
    %mul3A_2 = arith.muli %add3A, %mul3A_1 : i32
    %run_scoped3A = arith.constant 0 : i32
    "tpu.region"() ({
      %run_scoped3A_37 = tpu.sem_alloc : memref<!tpu.dma_semaphore, #tpu.memory_space<semaphore_mem>>
      %dma_start3A_38 = tpu.memref_slice %arg3[%run_scoped3A, %mul3A_2] : memref<2x320000xi32, #tpu.memory_space<hbm>> -> memref<1x10000xi32, #tpu.memory_space<hbm>>
      %dma_start3A_39 = tpu.memref_squeeze %dma_start3A_38 : memref<1x10000xi32, #tpu.memory_space<hbm>> -> memref<10000xi32, #tpu.memory_space<hbm>>
      %dma_start3A_40 = tpu.memref_slice %arg3[%run_scoped3A, %mul3A_2] : memref<2x320000xi32, #tpu.memory_space<hbm>> -> memref<1x10000xi32, #tpu.memory_space<hbm>>
      %dma_start3A_41 = tpu.memref_squeeze %dma_start3A_40 : memref<1x10000xi32, #tpu.memory_space<hbm>> -> memref<10000xi32, #tpu.memory_space<hbm>>
      tpu.enqueue_dma source(%dma_start3A_41 : memref<10000xi32, #tpu.memory_space<hbm>>) target(%arg6 : memref<10000xi32, #tpu.memory_space<vmem>>) target_semaphore(%run_scoped3A_37 : memref<!tpu.dma_semaphore, #tpu.memory_space<semaphore_mem>>)
      %dma_wait3A_42 = tpu.memref_slice %arg3[%run_scoped3A, %mul3A_2] : memref<2x320000xi32, #tpu.memory_space<hbm>> -> memref<1x10000xi32, #tpu.memory_space<hbm>>
      %dma_wait3A_43 = tpu.memref_squeeze %dma_wait3A_42 : memref<1x10000xi32, #tpu.memory_space<hbm>> -> memref<10000xi32, #tpu.memory_space<hbm>>
      %dma_wait3A_44 = tpu.memref_slice %arg3[%run_scoped3A, %mul3A_2] : memref<2x320000xi32, #tpu.memory_space<hbm>> -> memref<1x10000xi32, #tpu.memory_space<hbm>>
      %dma_wait3A_45 = tpu.memref_squeeze %dma_wait3A_44 : memref<1x10000xi32, #tpu.memory_space<hbm>> -> memref<10000xi32, #tpu.memory_space<hbm>>
      tpu.wait_dma2 semaphore(%run_scoped3A_37 : memref<!tpu.dma_semaphore, #tpu.memory_space<semaphore_mem>>) src(%dma_wait3A_45 : memref<10000xi32, #tpu.memory_space<hbm>>) dst(%arg6 : memref<10000xi32, #tpu.memory_space<vmem>>)
      tpu.yield
    }) : () -> ()
    %mul3A_3 = arith.constant 640 : i32
    %mul3A_4 = arith.muli %arg1, %mul3A_3 : i32
    "tpu.region"() ({
      %run_scoped3A_37 = tpu.sem_alloc : memref<!tpu.dma_semaphore, #tpu.memory_space<semaphore_mem>>
      %dma_start3A_38 = arith.constant 0 : i32
      %dma_start3A_39 = tpu.memref_slice %arg12[%mul3A_4, %dma_start3A_38] : memref<10240x128xf32, #tpu.memory_space<vmem_shared>> -> memref<640x128xf32, #tpu.memory_space<vmem_shared>>
      tpu.enqueue_dma source(%arg4 : memref<640x128xf32, #tpu.memory_space<hbm>>) target(%dma_start3A_39 : memref<640x128xf32, #tpu.memory_space<vmem_shared>>) target_semaphore(%run_scoped3A_37 : memref<!tpu.dma_semaphore, #tpu.memory_space<semaphore_mem>>)
      %dma_wait3A_40 = arith.constant 0 : i32
      %dma_wait3A_41 = tpu.memref_slice %arg12[%mul3A_4, %dma_wait3A_40] : memref<10240x128xf32, #tpu.memory_space<vmem_shared>> -> memref<640x128xf32, #tpu.memory_space<vmem_shared>>
      tpu.wait_dma2 semaphore(%run_scoped3A_37 : memref<!tpu.dma_semaphore, #tpu.memory_space<semaphore_mem>>) src(%arg4 : memref<640x128xf32, #tpu.memory_space<hbm>>) dst(%dma_wait3A_41 : memref<640x128xf32, #tpu.memory_space<vmem_shared>>)
      tpu.yield
    }) : () -> ()
    %barrier3A = arith.constant 0 : index
    tpu.barrier barrier_id(%barrier3A)
    %add3A_5 = arith.constant 0 : i32
    %add3A_6 = arith.addi %mul3A_2, %add3A_5 : i32
    %dma_start3A = arith.constant 1 : i32
    %dma_start3A_7 = tpu.memref_slice %arg3[%dma_start3A, %add3A_6] : memref<2x320000xi32, #tpu.memory_space<hbm>> -> memref<1x128xi32, #tpu.memory_space<hbm>>
    %dma_start3A_8 = tpu.memref_squeeze %dma_start3A_7 : memref<1x128xi32, #tpu.memory_space<hbm>> -> memref<128xi32, #tpu.memory_space<hbm>>
    %dma_start3A_9 = tpu.memref_slice %arg3[%dma_start3A, %add3A_6] : memref<2x320000xi32, #tpu.memory_space<hbm>> -> memref<1x128xi32, #tpu.memory_space<hbm>>
    %dma_start3A_10 = tpu.memref_squeeze %dma_start3A_9 : memref<1x128xi32, #tpu.memory_space<hbm>> -> memref<128xi32, #tpu.memory_space<hbm>>
    tpu.enqueue_dma source(%dma_start3A_10 : memref<128xi32, #tpu.memory_space<hbm>>) target(%arg7 : memref<128xi32, #tpu.memory_space<vmem>>) target_semaphore(%arg15 : memref<!tpu.dma_semaphore, #tpu.memory_space<semaphore_mem>>)
    %dma_start3A_11 = arith.constant 0 : i32
    %dma_start3A_12 = tpu.memref_slice %arg6[%dma_start3A_11] : memref<10000xi32, #tpu.memory_space<vmem>> -> memref<128xi32, #tpu.memory_space<vmem>>
    %dma_start3A_13 = arith.constant 0 : i32
    %dma_start3A_14 = arith.constant 0 : i32
    %dma_start3A_15 = tpu.memref_slice %arg2[%dma_start3A_13, %dma_start3A_14] : memref<10000x128xf32, #tpu.memory_space<hbm>> -> memref<10000x128xf32, #tpu.memory_space<hbm>>
    tpu.enqueue_indirect_dma source(%dma_start3A_15 : memref<10000x128xf32, #tpu.memory_space<hbm>>) target(%arg10 : memref<128x128xf32, #tpu.memory_space<vmem>>) offsets(%dma_start3A_12 : memref<128xi32, #tpu.memory_space<vmem>>) semaphore(%arg13 : memref<!tpu.dma_semaphore, #tpu.memory_space<semaphore_mem>>)
    %scan3A = arith.constant 0 : i32
    %scan3A_16 = arith.constant 39 : i32
    %scan3A_17 = arith.addi %scan3A, %scan3A_16 : i32
    %scan3A_18 = arith.constant 1 : i32
    scf.for %scan3A_37 = %scan3A to %scan3A_17 step %scan3A_18  : i32 {
      %mul3A_38 = arith.constant 1 : i32
      %mul3A_39 = arith.muli %scan3A_37, %mul3A_38 : i32
      %add3A_40 = arith.constant 0 : i32
      %add3A_41 = arith.addi %add3A_40, %mul3A_39 : i32
      %mul3A_42 = arith.constant 2 : i32
      %mul3A_43 = arith.muli %mul3A_42, %add3A_41 : i32
      %add3A_44 = arith.constant 1 : i32
      %add3A_45 = arith.addi %mul3A_43, %add3A_44 : i32
      %mul3A_46 = arith.constant 128 : i32
      %mul3A_47 = arith.muli %add3A_45, %mul3A_46 : i32
      %add3A_48 = arith.addi %mul3A_2, %mul3A_47 : i32
      %dma_start3A_49 = arith.constant 1 : i32
      %dma_start3A_50 = tpu.memref_slice %arg3[%dma_start3A_49, %add3A_48] : memref<2x320000xi32, #tpu.memory_space<hbm>> -> memref<1x128xi32, #tpu.memory_space<hbm>>
      %dma_start3A_51 = tpu.memref_squeeze %dma_start3A_50 : memref<1x128xi32, #tpu.memory_space<hbm>> -> memref<128xi32, #tpu.memory_space<hbm>>
      %dma_start3A_52 = tpu.memref_slice %arg3[%dma_start3A_49, %add3A_48] : memref<2x320000xi32, #tpu.memory_space<hbm>> -> memref<1x128xi32, #tpu.memory_space<hbm>>
      %dma_start3A_53 = tpu.memref_squeeze %dma_start3A_52 : memref<1x128xi32, #tpu.memory_space<hbm>> -> memref<128xi32, #tpu.memory_space<hbm>>
      tpu.enqueue_dma source(%dma_start3A_53 : memref<128xi32, #tpu.memory_space<hbm>>) target(%arg8 : memref<128xi32, #tpu.memory_space<vmem>>) target_semaphore(%arg16 : memref<!tpu.dma_semaphore, #tpu.memory_space<semaphore_mem>>)
      %add3A_54 = arith.constant 1 : i32
      %add3A_55 = arith.addi %mul3A_43, %add3A_54 : i32
      %mul3A_56 = arith.constant 128 : i32
      %mul3A_57 = arith.muli %add3A_55, %mul3A_56 : i32
      %dma_start3A_58 = tpu.memref_slice %arg6[%mul3A_57] : memref<10000xi32, #tpu.memory_space<vmem>> -> memref<128xi32, #tpu.memory_space<vmem>>
      %dma_start3A_59 = arith.constant 0 : i32
      %dma_start3A_60 = arith.constant 0 : i32
      %dma_start3A_61 = tpu.memref_slice %arg2[%dma_start3A_59, %dma_start3A_60] : memref<10000x128xf32, #tpu.memory_space<hbm>> -> memref<10000x128xf32, #tpu.memory_space<hbm>>
      tpu.enqueue_indirect_dma source(%dma_start3A_61 : memref<10000x128xf32, #tpu.memory_space<hbm>>) target(%arg11 : memref<128x128xf32, #tpu.memory_space<vmem>>) offsets(%dma_start3A_58 : memref<128xi32, #tpu.memory_space<vmem>>) semaphore(%arg14 : memref<!tpu.dma_semaphore, #tpu.memory_space<semaphore_mem>>)
      %add3A_62 = arith.constant 0 : i32
      %add3A_63 = arith.addi %mul3A_2, %add3A_62 : i32
      %dma_wait3A_64 = arith.constant 1 : i32
      %dma_wait3A_65 = tpu.memref_slice %arg3[%dma_wait3A_64, %add3A_63] : memref<2x320000xi32, #tpu.memory_space<hbm>> -> memref<1x128xi32, #tpu.memory_space<hbm>>
      %dma_wait3A_66 = tpu.memref_squeeze %dma_wait3A_65 : memref<1x128xi32, #tpu.memory_space<hbm>> -> memref<128xi32, #tpu.memory_space<hbm>>
      %dma_wait3A_67 = tpu.memref_slice %arg3[%dma_wait3A_64, %add3A_63] : memref<2x320000xi32, #tpu.memory_space<hbm>> -> memref<1x128xi32, #tpu.memory_space<hbm>>
      %dma_wait3A_68 = tpu.memref_squeeze %dma_wait3A_67 : memref<1x128xi32, #tpu.memory_space<hbm>> -> memref<128xi32, #tpu.memory_space<hbm>>
      tpu.wait_dma2 semaphore(%arg15 : memref<!tpu.dma_semaphore, #tpu.memory_space<semaphore_mem>>) src(%dma_wait3A_68 : memref<128xi32, #tpu.memory_space<hbm>>) dst(%arg7 : memref<128xi32, #tpu.memory_space<vmem>>)
      %dma_wait3A_69 = arith.constant 0 : i32
      %dma_wait3A_70 = tpu.memref_slice %arg6[%dma_wait3A_69] : memref<10000xi32, #tpu.memory_space<vmem>> -> memref<128xi32, #tpu.memory_space<vmem>>
      %dma_wait3A_71 = arith.constant 0 : i32
      %dma_wait3A_72 = arith.constant 0 : i32
      %dma_wait3A_73 = tpu.memref_slice %arg2[%dma_wait3A_71, %dma_wait3A_72] : memref<10000x128xf32, #tpu.memory_space<hbm>> -> memref<10000x128xf32, #tpu.memory_space<hbm>>
      tpu.wait_indirect_dma semaphore(%arg13 : memref<!tpu.dma_semaphore, #tpu.memory_space<semaphore_mem>>) src(%dma_wait3A_73 : memref<10000x128xf32, #tpu.memory_space<hbm>>) dst(%arg10 : memref<128x128xf32, #tpu.memory_space<vmem>>)
      "tpu.region"() ({
        %run_scoped3A_103 = tpu.sem_alloc : memref<!tpu.dma_semaphore, #tpu.memory_space<semaphore_mem>>
        %dma_start3A_104 = arith.constant 0 : i32
        %dma_start3A_105 = arith.constant 0 : i32
        %dma_start3A_106 = tpu.memref_slice %arg12[%dma_start3A_104, %dma_start3A_105] : memref<10240x128xf32, #tpu.memory_space<vmem_shared>> -> memref<10240x128xf32, #tpu.memory_space<vmem_shared>>
        tpu.enqueue_indirect_dma source(%arg10 : memref<128x128xf32, #tpu.memory_space<vmem>>) target(%dma_start3A_106 : memref<10240x128xf32, #tpu.memory_space<vmem_shared>>) offsets(%arg7 : memref<128xi32, #tpu.memory_space<vmem>>) semaphore(%run_scoped3A_103 : memref<!tpu.dma_semaphore, #tpu.memory_space<semaphore_mem>>) {add = true}
        %dma_wait3A_107 = arith.constant 0 : i32
        %dma_wait3A_108 = arith.constant 0 : i32
        %dma_wait3A_109 = tpu.memref_slice %arg12[%dma_wait3A_107, %dma_wait3A_108] : memref<10240x128xf32, #tpu.memory_space<vmem_shared>> -> memref<10240x128xf32, #tpu.memory_space<vmem_shared>>
        tpu.wait_indirect_dma semaphore(%run_scoped3A_103 : memref<!tpu.dma_semaphore, #tpu.memory_space<semaphore_mem>>) src(%arg10 : memref<128x128xf32, #tpu.memory_space<vmem>>) dst(%dma_wait3A_109 : memref<10240x128xf32, #tpu.memory_space<vmem_shared>>)
        tpu.yield
      }) : () -> ()
      %add3A_74 = arith.constant 2 : i32
      %add3A_75 = arith.addi %mul3A_43, %add3A_74 : i32
      %min3A = arith.constant 77 : i32
      %min3A_76 = arith.minsi %add3A_75, %min3A : i32
      %mul3A_77 = arith.constant 128 : i32
      %mul3A_78 = arith.muli %min3A_76, %mul3A_77 : i32
      %add3A_79 = arith.addi %mul3A_2, %mul3A_78 : i32
      %dma_start3A_80 = arith.constant 1 : i32
      %dma_start3A_81 = tpu.memref_slice %arg3[%dma_start3A_80, %add3A_79] : memref<2x320000xi32, #tpu.memory_space<hbm>> -> memref<1x128xi32, #tpu.memory_space<hbm>>
      %dma_start3A_82 = tpu.memref_squeeze %dma_start3A_81 : memref<1x128xi32, #tpu.memory_space<hbm>> -> memref<128xi32, #tpu.memory_space<hbm>>
      %dma_start3A_83 = tpu.memref_slice %arg3[%dma_start3A_80, %add3A_79] : memref<2x320000xi32, #tpu.memory_space<hbm>> -> memref<1x128xi32, #tpu.memory_space<hbm>>
      %dma_start3A_84 = tpu.memref_squeeze %dma_start3A_83 : memref<1x128xi32, #tpu.memory_space<hbm>> -> memref<128xi32, #tpu.memory_space<hbm>>
      tpu.enqueue_dma source(%dma_start3A_84 : memref<128xi32, #tpu.memory_space<hbm>>) target(%arg7 : memref<128xi32, #tpu.memory_space<vmem>>) target_semaphore(%arg15 : memref<!tpu.dma_semaphore, #tpu.memory_space<semaphore_mem>>)
      %mul3A_85 = arith.constant 128 : i32
      %mul3A_86 = arith.muli %min3A_76, %mul3A_85 : i32
      %dma_start3A_87 = tpu.memref_slice %arg6[%mul3A_86] : memref<10000xi32, #tpu.memory_space<vmem>> -> memref<128xi32, #tpu.memory_space<vmem>>
      %dma_start3A_88 = arith.constant 0 : i32
      %dma_start3A_89 = arith.constant 0 : i32
      %dma_start3A_90 = tpu.memref_slice %arg2[%dma_start3A_88, %dma_start3A_89] : memref<10000x128xf32, #tpu.memory_space<hbm>> -> memref<10000x128xf32, #tpu.memory_space<hbm>>
      tpu.enqueue_indirect_dma source(%dma_start3A_90 : memref<10000x128xf32, #tpu.memory_space<hbm>>) target(%arg10 : memref<128x128xf32, #tpu.memory_space<vmem>>) offsets(%dma_start3A_87 : memref<128xi32, #tpu.memory_space<vmem>>) semaphore(%arg13 : memref<!tpu.dma_semaphore, #tpu.memory_space<semaphore_mem>>)
      %add3A_91 = arith.constant 0 : i32
      %add3A_92 = arith.addi %mul3A_2, %add3A_91 : i32
      %dma_wait3A_93 = arith.constant 1 : i32
      %dma_wait3A_94 = tpu.memref_slice %arg3[%dma_wait3A_93, %add3A_92] : memref<2x320000xi32, #tpu.memory_space<hbm>> -> memref<1x128xi32, #tpu.memory_space<hbm>>
      %dma_wait3A_95 = tpu.memref_squeeze %dma_wait3A_94 : memref<1x128xi32, #tpu.memory_space<hbm>> -> memref<128xi32, #tpu.memory_space<hbm>>
      %dma_wait3A_96 = tpu.memref_slice %arg3[%dma_wait3A_93, %add3A_92] : memref<2x320000xi32, #tpu.memory_space<hbm>> -> memref<1x128xi32, #tpu.memory_space<hbm>>
      %dma_wait3A_97 = tpu.memref_squeeze %dma_wait3A_96 : memref<1x128xi32, #tpu.memory_space<hbm>> -> memref<128xi32, #tpu.memory_space<hbm>>
      tpu.wait_dma2 semaphore(%arg16 : memref<!tpu.dma_semaphore, #tpu.memory_space<semaphore_mem>>) src(%dma_wait3A_97 : memref<128xi32, #tpu.memory_space<hbm>>) dst(%arg8 : memref<128xi32, #tpu.memory_space<vmem>>)
      %dma_wait3A_98 = arith.constant 0 : i32
      %dma_wait3A_99 = tpu.memref_slice %arg6[%dma_wait3A_98] : memref<10000xi32, #tpu.memory_space<vmem>> -> memref<128xi32, #tpu.memory_space<vmem>>
      %dma_wait3A_100 = arith.constant 0 : i32
      %dma_wait3A_101 = arith.constant 0 : i32
      %dma_wait3A_102 = tpu.memref_slice %arg2[%dma_wait3A_100, %dma_wait3A_101] : memref<10000x128xf32, #tpu.memory_space<hbm>> -> memref<10000x128xf32, #tpu.memory_space<hbm>>
      tpu.wait_indirect_dma semaphore(%arg14 : memref<!tpu.dma_semaphore, #tpu.memory_space<semaphore_mem>>) src(%dma_wait3A_102 : memref<10000x128xf32, #tpu.memory_space<hbm>>) dst(%arg11 : memref<128x128xf32, #tpu.memory_space<vmem>>)
      "tpu.region"() ({
        %run_scoped3A_103 = tpu.sem_alloc : memref<!tpu.dma_semaphore, #tpu.memory_space<semaphore_mem>>
        %dma_start3A_104 = arith.constant 0 : i32
        %dma_start3A_105 = arith.constant 0 : i32
        %dma_start3A_106 = tpu.memref_slice %arg12[%dma_start3A_104, %dma_start3A_105] : memref<10240x128xf32, #tpu.memory_space<vmem_shared>> -> memref<10240x128xf32, #tpu.memory_space<vmem_shared>>
        tpu.enqueue_indirect_dma source(%arg11 : memref<128x128xf32, #tpu.memory_space<vmem>>) target(%dma_start3A_106 : memref<10240x128xf32, #tpu.memory_space<vmem_shared>>) offsets(%arg8 : memref<128xi32, #tpu.memory_space<vmem>>) semaphore(%run_scoped3A_103 : memref<!tpu.dma_semaphore, #tpu.memory_space<semaphore_mem>>) {add = true}
        %dma_wait3A_107 = arith.constant 0 : i32
        %dma_wait3A_108 = arith.constant 0 : i32
        %dma_wait3A_109 = tpu.memref_slice %arg12[%dma_wait3A_107, %dma_wait3A_108] : memref<10240x128xf32, #tpu.memory_space<vmem_shared>> -> memref<10240x128xf32, #tpu.memory_space<vmem_shared>>
        tpu.wait_indirect_dma semaphore(%run_scoped3A_103 : memref<!tpu.dma_semaphore, #tpu.memory_space<semaphore_mem>>) src(%arg11 : memref<128x128xf32, #tpu.memory_space<vmem>>) dst(%dma_wait3A_109 : memref<10240x128xf32, #tpu.memory_space<vmem_shared>>)
        tpu.yield
      }) : () -> ()
    }
    %scan3A_19 = arith.constant 39 : i32
    %add3A_20 = arith.constant 0 : i32
    %add3A_21 = arith.addi %mul3A_2, %add3A_20 : i32
    %dma_wait3A = arith.constant 1 : i32
    %dma_wait3A_22 = tpu.memref_slice %arg3[%dma_wait3A, %add3A_21] : memref<2x320000xi32, #tpu.memory_space<hbm>> -> memref<1x128xi32, #tpu.memory_space<hbm>>
    %dma_wait3A_23 = tpu.memref_squeeze %dma_wait3A_22 : memref<1x128xi32, #tpu.memory_space<hbm>> -> memref<128xi32, #tpu.memory_space<hbm>>
    %dma_wait3A_24 = tpu.memref_slice %arg3[%dma_wait3A, %add3A_21] : memref<2x320000xi32, #tpu.memory_space<hbm>> -> memref<1x128xi32, #tpu.memory_space<hbm>>
    %dma_wait3A_25 = tpu.memref_squeeze %dma_wait3A_24 : memref<1x128xi32, #tpu.memory_space<hbm>> -> memref<128xi32, #tpu.memory_space<hbm>>
    tpu.wait_dma2 semaphore(%arg15 : memref<!tpu.dma_semaphore, #tpu.memory_space<semaphore_mem>>) src(%dma_wait3A_25 : memref<128xi32, #tpu.memory_space<hbm>>) dst(%arg7 : memref<128xi32, #tpu.memory_space<vmem>>)
    %dma_wait3A_26 = arith.constant 0 : i32
    %dma_wait3A_27 = tpu.memref_slice %arg6[%dma_wait3A_26] : memref<10000xi32, #tpu.memory_space<vmem>> -> memref<128xi32, #tpu.memory_space<vmem>>
    %dma_wait3A_28 = arith.constant 0 : i32
    %dma_wait3A_29 = arith.constant 0 : i32
    %dma_wait3A_30 = tpu.memref_slice %arg2[%dma_wait3A_28, %dma_wait3A_29] : memref<10000x128xf32, #tpu.memory_space<hbm>> -> memref<10000x128xf32, #tpu.memory_space<hbm>>
    tpu.wait_indirect_dma semaphore(%arg13 : memref<!tpu.dma_semaphore, #tpu.memory_space<semaphore_mem>>) src(%dma_wait3A_30 : memref<10000x128xf32, #tpu.memory_space<hbm>>) dst(%arg10 : memref<128x128xf32, #tpu.memory_space<vmem>>)
    %add3A_31 = arith.constant 9984 : i32
    %add3A_32 = arith.addi %mul3A_2, %add3A_31 : i32
    %run_scoped3A_33 = arith.constant 1 : i32
    "tpu.region"() ({
      %run_scoped3A_37 = tpu.sem_alloc : memref<!tpu.dma_semaphore, #tpu.memory_space<semaphore_mem>>
      %dma_start3A_38 = tpu.memref_slice %arg3[%run_scoped3A_33, %add3A_32] : memref<2x320000xi32, #tpu.memory_space<hbm>> -> memref<1x16xi32, #tpu.memory_space<hbm>>
      %dma_start3A_39 = tpu.memref_squeeze %dma_start3A_38 : memref<1x16xi32, #tpu.memory_space<hbm>> -> memref<16xi32, #tpu.memory_space<hbm>>
      %dma_start3A_40 = tpu.memref_slice %arg3[%run_scoped3A_33, %add3A_32] : memref<2x320000xi32, #tpu.memory_space<hbm>> -> memref<1x16xi32, #tpu.memory_space<hbm>>
      %dma_start3A_41 = tpu.memref_squeeze %dma_start3A_40 : memref<1x16xi32, #tpu.memory_space<hbm>> -> memref<16xi32, #tpu.memory_space<hbm>>
      tpu.enqueue_dma source(%dma_start3A_41 : memref<16xi32, #tpu.memory_space<hbm>>) target(%arg9 : memref<16xi32, #tpu.memory_space<vmem>>) target_semaphore(%run_scoped3A_37 : memref<!tpu.dma_semaphore, #tpu.memory_space<semaphore_mem>>)
      %dma_wait3A_42 = tpu.memref_slice %arg3[%run_scoped3A_33, %add3A_32] : memref<2x320000xi32, #tpu.memory_space<hbm>> -> memref<1x16xi32, #tpu.memory_space<hbm>>
      %dma_wait3A_43 = tpu.memref_squeeze %dma_wait3A_42 : memref<1x16xi32, #tpu.memory_space<hbm>> -> memref<16xi32, #tpu.memory_space<hbm>>
      %dma_wait3A_44 = tpu.memref_slice %arg3[%run_scoped3A_33, %add3A_32] : memref<2x320000xi32, #tpu.memory_space<hbm>> -> memref<1x16xi32, #tpu.memory_space<hbm>>
      %dma_wait3A_45 = tpu.memref_squeeze %dma_wait3A_44 : memref<1x16xi32, #tpu.memory_space<hbm>> -> memref<16xi32, #tpu.memory_space<hbm>>
      tpu.wait_dma2 semaphore(%run_scoped3A_37 : memref<!tpu.dma_semaphore, #tpu.memory_space<semaphore_mem>>) src(%dma_wait3A_45 : memref<16xi32, #tpu.memory_space<hbm>>) dst(%arg9 : memref<16xi32, #tpu.memory_space<vmem>>)
      tpu.yield
    }) : () -> ()
    "tpu.region"() ({
      %run_scoped3A_37 = tpu.sem_alloc : memref<!tpu.dma_semaphore, #tpu.memory_space<semaphore_mem>>
      %dma_start3A_38 = arith.constant 0 : i32
      %dma_start3A_39 = arith.constant 0 : i32
      %dma_start3A_40 = tpu.memref_slice %arg10[%dma_start3A_38, %dma_start3A_39] : memref<128x128xf32, #tpu.memory_space<vmem>> -> memref<16x128xf32, #tpu.memory_space<vmem>>
      %dma_start3A_41 = arith.constant 9984 : i32
      %dma_start3A_42 = tpu.memref_slice %arg6[%dma_start3A_41] : memref<10000xi32, #tpu.memory_space<vmem>> -> memref<16xi32, #tpu.memory_space<vmem>>
      %dma_start3A_43 = arith.constant 0 : i32
      %dma_start3A_44 = arith.constant 0 : i32
      %dma_start3A_45 = tpu.memref_slice %arg2[%dma_start3A_43, %dma_start3A_44] : memref<10000x128xf32, #tpu.memory_space<hbm>> -> memref<10000x128xf32, #tpu.memory_space<hbm>>
      tpu.enqueue_indirect_dma source(%dma_start3A_45 : memref<10000x128xf32, #tpu.memory_space<hbm>>) target(%dma_start3A_40 : memref<16x128xf32, #tpu.memory_space<vmem>>) offsets(%dma_start3A_42 : memref<16xi32, #tpu.memory_space<vmem>>) semaphore(%run_scoped3A_37 : memref<!tpu.dma_semaphore, #tpu.memory_space<semaphore_mem>>)
      %dma_wait3A_46 = arith.constant 0 : i32
      %dma_wait3A_47 = arith.constant 0 : i32
      %dma_wait3A_48 = tpu.memref_slice %arg10[%dma_wait3A_46, %dma_wait3A_47] : memref<128x128xf32, #tpu.memory_space<vmem>> -> memref<16x128xf32, #tpu.memory_space<vmem>>
      %dma_wait3A_49 = arith.constant 9984 : i32
      %dma_wait3A_50 = tpu.memref_slice %arg6[%dma_wait3A_49] : memref<10000xi32, #tpu.memory_space<vmem>> -> memref<16xi32, #tpu.memory_space<vmem>>
      %dma_wait3A_51 = arith.constant 0 : i32
      %dma_wait3A_52 = arith.constant 0 : i32
      %dma_wait3A_53 = tpu.memref_slice %arg2[%dma_wait3A_51, %dma_wait3A_52] : memref<10000x128xf32, #tpu.memory_space<hbm>> -> memref<10000x128xf32, #tpu.memory_space<hbm>>
      tpu.wait_indirect_dma semaphore(%run_scoped3A_37 : memref<!tpu.dma_semaphore, #tpu.memory_space<semaphore_mem>>) src(%dma_wait3A_53 : memref<10000x128xf32, #tpu.memory_space<hbm>>) dst(%dma_wait3A_48 : memref<16x128xf32, #tpu.memory_space<vmem>>)
      tpu.yield
    }) : () -> ()
    "tpu.region"() ({
      %run_scoped3A_37 = tpu.sem_alloc : memref<!tpu.dma_semaphore, #tpu.memory_space<semaphore_mem>>
      %dma_start3A_38 = arith.constant 0 : i32
      %dma_start3A_39 = arith.constant 0 : i32
      %dma_start3A_40 = tpu.memref_slice %arg10[%dma_start3A_38, %dma_start3A_39] : memref<128x128xf32, #tpu.memory_space<vmem>> -> memref<16x128xf32, #tpu.memory_space<vmem>>
      %dma_start3A_41 = arith.constant 0 : i32
      %dma_start3A_42 = arith.constant 0 : i32
      %dma_start3A_43 = tpu.memref_slice %arg12[%dma_start3A_41, %dma_start3A_42] : memref<10240x128xf32, #tpu.memory_space<vmem_shared>> -> memref<10240x128xf32, #tpu.memory_space<vmem_shared>>
      tpu.enqueue_indirect_dma source(%dma_start3A_40 : memref<16x128xf32, #tpu.memory_space<vmem>>) target(%dma_start3A_43 : memref<10240x128xf32, #tpu.memory_space<vmem_shared>>) offsets(%arg9 : memref<16xi32, #tpu.memory_space<vmem>>) semaphore(%run_scoped3A_37 : memref<!tpu.dma_semaphore, #tpu.memory_space<semaphore_mem>>) {add = true}
      %dma_wait3A_44 = arith.constant 0 : i32
      %dma_wait3A_45 = arith.constant 0 : i32
      %dma_wait3A_46 = tpu.memref_slice %arg10[%dma_wait3A_44, %dma_wait3A_45] : memref<128x128xf32, #tpu.memory_space<vmem>> -> memref<16x128xf32, #tpu.memory_space<vmem>>
      %dma_wait3A_47 = arith.constant 0 : i32
      %dma_wait3A_48 = arith.constant 0 : i32
      %dma_wait3A_49 = tpu.memref_slice %arg12[%dma_wait3A_47, %dma_wait3A_48] : memref<10240x128xf32, #tpu.memory_space<vmem_shared>> -> memref<10240x128xf32, #tpu.memory_space<vmem_shared>>
      tpu.wait_indirect_dma semaphore(%run_scoped3A_37 : memref<!tpu.dma_semaphore, #tpu.memory_space<semaphore_mem>>) src(%dma_wait3A_46 : memref<16x128xf32, #tpu.memory_space<vmem>>) dst(%dma_wait3A_49 : memref<10240x128xf32, #tpu.memory_space<vmem_shared>>)
      tpu.yield
    }) : () -> ()
    %barrier3A_34 = arith.constant 0 : index
    tpu.barrier barrier_id(%barrier3A_34)
    %mul3A_35 = arith.constant 640 : i32
    %mul3A_36 = arith.muli %arg1, %mul3A_35 : i32
    "tpu.region"() ({
      %run_scoped3A_37 = tpu.sem_alloc : memref<!tpu.dma_semaphore, #tpu.memory_space<semaphore_mem>>
      %dma_start3A_38 = arith.constant 0 : i32
      %dma_start3A_39 = tpu.memref_slice %arg5[%arg0, %mul3A_36, %dma_start3A_38] : memref<2x10240x128xf32, #tpu.memory_space<hbm>> -> memref<1x640x128xf32, #tpu.memory_space<hbm>>
      %dma_start3A_40 = tpu.memref_squeeze %dma_start3A_39 : memref<1x640x128xf32, #tpu.memory_space<hbm>> -> memref<640x128xf32, #tpu.memory_space<hbm>>
      %dma_start3A_41 = arith.constant 0 : i32
      %dma_start3A_42 = tpu.memref_slice %arg12[%mul3A_36, %dma_start3A_41] : memref<10240x128xf32, #tpu.memory_space<vmem_shared>> -> memref<640x128xf32, #tpu.memory_space<vmem_shared>>
      tpu.enqueue_dma source(%dma_start3A_42 : memref<640x128xf32, #tpu.memory_space<vmem_shared>>) target(%dma_start3A_40 : memref<640x128xf32, #tpu.memory_space<hbm>>) target_semaphore(%run_scoped3A_37 : memref<!tpu.dma_semaphore, #tpu.memory_space<semaphore_mem>>)
      %dma_wait3A_43 = arith.constant 0 : i32
      %dma_wait3A_44 = tpu.memref_slice %arg5[%arg0, %mul3A_36, %dma_wait3A_43] : memref<2x10240x128xf32, #tpu.memory_space<hbm>> -> memref<1x640x128xf32, #tpu.memory_space<hbm>>
      %dma_wait3A_45 = tpu.memref_squeeze %dma_wait3A_44 : memref<1x640x128xf32, #tpu.memory_space<hbm>> -> memref<640x128xf32, #tpu.memory_space<hbm>>
      %dma_wait3A_46 = arith.constant 0 : i32
      %dma_wait3A_47 = tpu.memref_slice %arg12[%mul3A_36, %dma_wait3A_46] : memref<10240x128xf32, #tpu.memory_space<vmem_shared>> -> memref<640x128xf32, #tpu.memory_space<vmem_shared>>
      tpu.wait_dma2 semaphore(%run_scoped3A_37 : memref<!tpu.dma_semaphore, #tpu.memory_space<semaphore_mem>>) src(%dma_wait3A_47 : memref<640x128xf32, #tpu.memory_space<vmem_shared>>) dst(%dma_wait3A_45 : memref<640x128xf32, #tpu.memory_space<hbm>>)
      tpu.yield
    }) : () -> ()
    return
  }
}

#map = affine_map<(d0, d1) -> (0, 0)>
#map1 = affine_map<(d0, d1) -> (0, 0, 0)>
module attributes {stable_mosaic.version = 14 : i64} {
  func.func @_seg_body(%arg0: i32, %arg1: i32, %arg2: memref<10000x128xf32, #tpu.memory_space<hbm>>, %arg3: memref<2x320000xi32, #tpu.memory_space<hbm>>, %arg4: memref<640x128xf32, #tpu.memory_space<hbm>>, %arg5: memref<2x10240x128xf32, #tpu.memory_space<hbm>>, %arg6: memref<10000xi32, #tpu.memory_space<vmem>>, %arg7: memref<128xi32, #tpu.memory_space<vmem>>, %arg8: memref<128xi32, #tpu.memory_space<vmem>>, %arg9: memref<16xi32, #tpu.memory_space<vmem>>, %arg10: memref<128x128xf32, #tpu.memory_space<vmem>>, %arg11: memref<128x128xf32, #tpu.memory_space<vmem>>, %arg12: memref<10240x128xf32, #tpu.memory_space<vmem_shared>>, %arg13: memref<!tpu.dma_semaphore, #tpu.memory_space<semaphore_mem>>, %arg14: memref<!tpu.dma_semaphore, #tpu.memory_space<semaphore_mem>>, %arg15: memref<!tpu.dma_semaphore, #tpu.memory_space<semaphore_mem>>, %arg16: memref<!tpu.dma_semaphore, #tpu.memory_space<semaphore_mem>>) attributes {dimension_semantics = [#tpu.dimension_semantics<core_parallel>, #tpu.dimension_semantics<subcore_parallel>], iteration_bounds = array<i64: 2, 16>, scalar_prefetch = 0 : i64, scratch_operands = 11 : i64, tpu.core_type = #tpu.core_type<sc_vector_subcore>, window_params = [{transform_indices = #map}, {transform_indices = #map}, {transform_indices = #map}, {transform_indices = #map1}]} {
    %mul3A = arith.constant 16 : i32
    %mul3A_0 = arith.muli %arg0, %mul3A : i32
    %add3A = arith.addi %mul3A_0, %arg1 : i32
    %mul3A_1 = arith.constant 10000 : i32
    %mul3A_2 = arith.muli %add3A, %mul3A_1 : i32
    %run_scoped3A = arith.constant 0 : i32
    "tpu.region"() ({
      %run_scoped3A_37 = tpu.sem_alloc : memref<!tpu.dma_semaphore, #tpu.memory_space<semaphore_mem>>
      %dma_start3A_38 = tpu.memref_slice %arg3[%run_scoped3A, %mul3A_2] : memref<2x320000xi32, #tpu.memory_space<hbm>> -> memref<1x10000xi32, #tpu.memory_space<hbm>>
      %dma_start3A_39 = tpu.memref_squeeze %dma_start3A_38 : memref<1x10000xi32, #tpu.memory_space<hbm>> -> memref<10000xi32, #tpu.memory_space<hbm>>
      %dma_start3A_40 = tpu.memref_slice %arg3[%run_scoped3A, %mul3A_2] : memref<2x320000xi32, #tpu.memory_space<hbm>> -> memref<1x10000xi32, #tpu.memory_space<hbm>>
      %dma_start3A_41 = tpu.memref_squeeze %dma_start3A_40 : memref<1x10000xi32, #tpu.memory_space<hbm>> -> memref<10000xi32, #tpu.memory_space<hbm>>
      tpu.enqueue_dma source(%dma_start3A_41 : memref<10000xi32, #tpu.memory_space<hbm>>) target(%arg6 : memref<10000xi32, #tpu.memory_space<vmem>>) target_semaphore(%run_scoped3A_37 : memref<!tpu.dma_semaphore, #tpu.memory_space<semaphore_mem>>)
      %dma_wait3A_42 = tpu.memref_slice %arg3[%run_scoped3A, %mul3A_2] : memref<2x320000xi32, #tpu.memory_space<hbm>> -> memref<1x10000xi32, #tpu.memory_space<hbm>>
      %dma_wait3A_43 = tpu.memref_squeeze %dma_wait3A_42 : memref<1x10000xi32, #tpu.memory_space<hbm>> -> memref<10000xi32, #tpu.memory_space<hbm>>
      %dma_wait3A_44 = tpu.memref_slice %arg3[%run_scoped3A, %mul3A_2] : memref<2x320000xi32, #tpu.memory_space<hbm>> -> memref<1x10000xi32, #tpu.memory_space<hbm>>
      %dma_wait3A_45 = tpu.memref_squeeze %dma_wait3A_44 : memref<1x10000xi32, #tpu.memory_space<hbm>> -> memref<10000xi32, #tpu.memory_space<hbm>>
      tpu.wait_dma2 semaphore(%run_scoped3A_37 : memref<!tpu.dma_semaphore, #tpu.memory_space<semaphore_mem>>) src(%dma_wait3A_45 : memref<10000xi32, #tpu.memory_space<hbm>>) dst(%arg6 : memref<10000xi32, #tpu.memory_space<vmem>>)
      tpu.yield
    }) : () -> ()
    %mul3A_3 = arith.constant 640 : i32
    %mul3A_4 = arith.muli %arg1, %mul3A_3 : i32
    "tpu.region"() ({
      %run_scoped3A_37 = tpu.sem_alloc : memref<!tpu.dma_semaphore, #tpu.memory_space<semaphore_mem>>
      %dma_start3A_38 = arith.constant 0 : i32
      %dma_start3A_39 = tpu.memref_slice %arg12[%mul3A_4, %dma_start3A_38] : memref<10240x128xf32, #tpu.memory_space<vmem_shared>> -> memref<640x128xf32, #tpu.memory_space<vmem_shared>>
      tpu.enqueue_dma source(%arg4 : memref<640x128xf32, #tpu.memory_space<hbm>>) target(%dma_start3A_39 : memref<640x128xf32, #tpu.memory_space<vmem_shared>>) target_semaphore(%run_scoped3A_37 : memref<!tpu.dma_semaphore, #tpu.memory_space<semaphore_mem>>)
      %dma_wait3A_40 = arith.constant 0 : i32
      %dma_wait3A_41 = tpu.memref_slice %arg12[%mul3A_4, %dma_wait3A_40] : memref<10240x128xf32, #tpu.memory_space<vmem_shared>> -> memref<640x128xf32, #tpu.memory_space<vmem_shared>>
      tpu.wait_dma2 semaphore(%run_scoped3A_37 : memref<!tpu.dma_semaphore, #tpu.memory_space<semaphore_mem>>) src(%arg4 : memref<640x128xf32, #tpu.memory_space<hbm>>) dst(%dma_wait3A_41 : memref<640x128xf32, #tpu.memory_space<vmem_shared>>)
      tpu.yield
    }) : () -> ()
    %barrier3A = arith.constant 0 : index
    tpu.barrier barrier_id(%barrier3A)
    %add3A_5 = arith.constant 0 : i32
    %add3A_6 = arith.addi %mul3A_2, %add3A_5 : i32
    %dma_start3A = arith.constant 1 : i32
    %dma_start3A_7 = tpu.memref_slice %arg3[%dma_start3A, %add3A_6] : memref<2x320000xi32, #tpu.memory_space<hbm>> -> memref<1x128xi32, #tpu.memory_space<hbm>>
    %dma_start3A_8 = tpu.memref_squeeze %dma_start3A_7 : memref<1x128xi32, #tpu.memory_space<hbm>> -> memref<128xi32, #tpu.memory_space<hbm>>
    %dma_start3A_9 = tpu.memref_slice %arg3[%dma_start3A, %add3A_6] : memref<2x320000xi32, #tpu.memory_space<hbm>> -> memref<1x128xi32, #tpu.memory_space<hbm>>
    %dma_start3A_10 = tpu.memref_squeeze %dma_start3A_9 : memref<1x128xi32, #tpu.memory_space<hbm>> -> memref<128xi32, #tpu.memory_space<hbm>>
    tpu.enqueue_dma source(%dma_start3A_10 : memref<128xi32, #tpu.memory_space<hbm>>) target(%arg7 : memref<128xi32, #tpu.memory_space<vmem>>) target_semaphore(%arg15 : memref<!tpu.dma_semaphore, #tpu.memory_space<semaphore_mem>>)
    %dma_start3A_11 = arith.constant 0 : i32
    %dma_start3A_12 = tpu.memref_slice %arg6[%dma_start3A_11] : memref<10000xi32, #tpu.memory_space<vmem>> -> memref<128xi32, #tpu.memory_space<vmem>>
    %dma_start3A_13 = arith.constant 0 : i32
    %dma_start3A_14 = arith.constant 0 : i32
    %dma_start3A_15 = tpu.memref_slice %arg2[%dma_start3A_13, %dma_start3A_14] : memref<10000x128xf32, #tpu.memory_space<hbm>> -> memref<10000x128xf32, #tpu.memory_space<hbm>>
    tpu.enqueue_indirect_dma source(%dma_start3A_15 : memref<10000x128xf32, #tpu.memory_space<hbm>>) target(%arg10 : memref<128x128xf32, #tpu.memory_space<vmem>>) offsets(%dma_start3A_12 : memref<128xi32, #tpu.memory_space<vmem>>) semaphore(%arg13 : memref<!tpu.dma_semaphore, #tpu.memory_space<semaphore_mem>>)
    %scan3A = arith.constant 0 : i32
    %scan3A_16 = arith.constant 39 : i32
    %scan3A_17 = arith.addi %scan3A, %scan3A_16 : i32
    %scan3A_18 = arith.constant 1 : i32
    scf.for %scan3A_37 = %scan3A to %scan3A_17 step %scan3A_18  : i32 {
      %mul3A_38 = arith.constant 1 : i32
      %mul3A_39 = arith.muli %scan3A_37, %mul3A_38 : i32
      %add3A_40 = arith.constant 0 : i32
      %add3A_41 = arith.addi %add3A_40, %mul3A_39 : i32
      %mul3A_42 = arith.constant 2 : i32
      %mul3A_43 = arith.muli %mul3A_42, %add3A_41 : i32
      %add3A_44 = arith.constant 1 : i32
      %add3A_45 = arith.addi %mul3A_43, %add3A_44 : i32
      %mul3A_46 = arith.constant 128 : i32
      %mul3A_47 = arith.muli %add3A_45, %mul3A_46 : i32
      %add3A_48 = arith.addi %mul3A_2, %mul3A_47 : i32
      %dma_start3A_49 = arith.constant 1 : i32
      %dma_start3A_50 = tpu.memref_slice %arg3[%dma_start3A_49, %add3A_48] : memref<2x320000xi32, #tpu.memory_space<hbm>> -> memref<1x128xi32, #tpu.memory_space<hbm>>
      %dma_start3A_51 = tpu.memref_squeeze %dma_start3A_50 : memref<1x128xi32, #tpu.memory_space<hbm>> -> memref<128xi32, #tpu.memory_space<hbm>>
      %dma_start3A_52 = tpu.memref_slice %arg3[%dma_start3A_49, %add3A_48] : memref<2x320000xi32, #tpu.memory_space<hbm>> -> memref<1x128xi32, #tpu.memory_space<hbm>>
      %dma_start3A_53 = tpu.memref_squeeze %dma_start3A_52 : memref<1x128xi32, #tpu.memory_space<hbm>> -> memref<128xi32, #tpu.memory_space<hbm>>
      tpu.enqueue_dma source(%dma_start3A_53 : memref<128xi32, #tpu.memory_space<hbm>>) target(%arg8 : memref<128xi32, #tpu.memory_space<vmem>>) target_semaphore(%arg16 : memref<!tpu.dma_semaphore, #tpu.memory_space<semaphore_mem>>)
      %add3A_54 = arith.constant 1 : i32
      %add3A_55 = arith.addi %mul3A_43, %add3A_54 : i32
      %mul3A_56 = arith.constant 128 : i32
      %mul3A_57 = arith.muli %add3A_55, %mul3A_56 : i32
      %dma_start3A_58 = tpu.memref_slice %arg6[%mul3A_57] : memref<10000xi32, #tpu.memory_space<vmem>> -> memref<128xi32, #tpu.memory_space<vmem>>
      %dma_start3A_59 = arith.constant 0 : i32
      %dma_start3A_60 = arith.constant 0 : i32
      %dma_start3A_61 = tpu.memref_slice %arg2[%dma_start3A_59, %dma_start3A_60] : memref<10000x128xf32, #tpu.memory_space<hbm>> -> memref<10000x128xf32, #tpu.memory_space<hbm>>
      tpu.enqueue_indirect_dma source(%dma_start3A_61 : memref<10000x128xf32, #tpu.memory_space<hbm>>) target(%arg11 : memref<128x128xf32, #tpu.memory_space<vmem>>) offsets(%dma_start3A_58 : memref<128xi32, #tpu.memory_space<vmem>>) semaphore(%arg14 : memref<!tpu.dma_semaphore, #tpu.memory_space<semaphore_mem>>)
      %add3A_62 = arith.constant 0 : i32
      %add3A_63 = arith.addi %mul3A_2, %add3A_62 : i32
      %dma_wait3A_64 = arith.constant 1 : i32
      %dma_wait3A_65 = tpu.memref_slice %arg3[%dma_wait3A_64, %add3A_63] : memref<2x320000xi32, #tpu.memory_space<hbm>> -> memref<1x128xi32, #tpu.memory_space<hbm>>
      %dma_wait3A_66 = tpu.memref_squeeze %dma_wait3A_65 : memref<1x128xi32, #tpu.memory_space<hbm>> -> memref<128xi32, #tpu.memory_space<hbm>>
      %dma_wait3A_67 = tpu.memref_slice %arg3[%dma_wait3A_64, %add3A_63] : memref<2x320000xi32, #tpu.memory_space<hbm>> -> memref<1x128xi32, #tpu.memory_space<hbm>>
      %dma_wait3A_68 = tpu.memref_squeeze %dma_wait3A_67 : memref<1x128xi32, #tpu.memory_space<hbm>> -> memref<128xi32, #tpu.memory_space<hbm>>
      tpu.wait_dma2 semaphore(%arg15 : memref<!tpu.dma_semaphore, #tpu.memory_space<semaphore_mem>>) src(%dma_wait3A_68 : memref<128xi32, #tpu.memory_space<hbm>>) dst(%arg7 : memref<128xi32, #tpu.memory_space<vmem>>)
      %dma_wait3A_69 = arith.constant 0 : i32
      %dma_wait3A_70 = tpu.memref_slice %arg6[%dma_wait3A_69] : memref<10000xi32, #tpu.memory_space<vmem>> -> memref<128xi32, #tpu.memory_space<vmem>>
      %dma_wait3A_71 = arith.constant 0 : i32
      %dma_wait3A_72 = arith.constant 0 : i32
      %dma_wait3A_73 = tpu.memref_slice %arg2[%dma_wait3A_71, %dma_wait3A_72] : memref<10000x128xf32, #tpu.memory_space<hbm>> -> memref<10000x128xf32, #tpu.memory_space<hbm>>
      tpu.wait_indirect_dma semaphore(%arg13 : memref<!tpu.dma_semaphore, #tpu.memory_space<semaphore_mem>>) src(%dma_wait3A_73 : memref<10000x128xf32, #tpu.memory_space<hbm>>) dst(%arg10 : memref<128x128xf32, #tpu.memory_space<vmem>>)
      "tpu.region"() ({
        %run_scoped3A_103 = tpu.sem_alloc : memref<!tpu.dma_semaphore, #tpu.memory_space<semaphore_mem>>
        %dma_start3A_104 = arith.constant 0 : i32
        %dma_start3A_105 = arith.constant 0 : i32
        %dma_start3A_106 = tpu.memref_slice %arg12[%dma_start3A_104, %dma_start3A_105] : memref<10240x128xf32, #tpu.memory_space<vmem_shared>> -> memref<10240x128xf32, #tpu.memory_space<vmem_shared>>
        tpu.enqueue_indirect_dma source(%arg10 : memref<128x128xf32, #tpu.memory_space<vmem>>) target(%dma_start3A_106 : memref<10240x128xf32, #tpu.memory_space<vmem_shared>>) offsets(%arg7 : memref<128xi32, #tpu.memory_space<vmem>>) semaphore(%run_scoped3A_103 : memref<!tpu.dma_semaphore, #tpu.memory_space<semaphore_mem>>) {add = true}
        %dma_wait3A_107 = arith.constant 0 : i32
        %dma_wait3A_108 = arith.constant 0 : i32
        %dma_wait3A_109 = tpu.memref_slice %arg12[%dma_wait3A_107, %dma_wait3A_108] : memref<10240x128xf32, #tpu.memory_space<vmem_shared>> -> memref<10240x128xf32, #tpu.memory_space<vmem_shared>>
        tpu.wait_indirect_dma semaphore(%run_scoped3A_103 : memref<!tpu.dma_semaphore, #tpu.memory_space<semaphore_mem>>) src(%arg10 : memref<128x128xf32, #tpu.memory_space<vmem>>) dst(%dma_wait3A_109 : memref<10240x128xf32, #tpu.memory_space<vmem_shared>>)
        tpu.yield
      }) : () -> ()
      %add3A_74 = arith.constant 2 : i32
      %add3A_75 = arith.addi %mul3A_43, %add3A_74 : i32
      %min3A = arith.constant 77 : i32
      %min3A_76 = arith.minsi %add3A_75, %min3A : i32
      %mul3A_77 = arith.constant 128 : i32
      %mul3A_78 = arith.muli %min3A_76, %mul3A_77 : i32
      %add3A_79 = arith.addi %mul3A_2, %mul3A_78 : i32
      %dma_start3A_80 = arith.constant 1 : i32
      %dma_start3A_81 = tpu.memref_slice %arg3[%dma_start3A_80, %add3A_79] : memref<2x320000xi32, #tpu.memory_space<hbm>> -> memref<1x128xi32, #tpu.memory_space<hbm>>
      %dma_start3A_82 = tpu.memref_squeeze %dma_start3A_81 : memref<1x128xi32, #tpu.memory_space<hbm>> -> memref<128xi32, #tpu.memory_space<hbm>>
      %dma_start3A_83 = tpu.memref_slice %arg3[%dma_start3A_80, %add3A_79] : memref<2x320000xi32, #tpu.memory_space<hbm>> -> memref<1x128xi32, #tpu.memory_space<hbm>>
      %dma_start3A_84 = tpu.memref_squeeze %dma_start3A_83 : memref<1x128xi32, #tpu.memory_space<hbm>> -> memref<128xi32, #tpu.memory_space<hbm>>
      tpu.enqueue_dma source(%dma_start3A_84 : memref<128xi32, #tpu.memory_space<hbm>>) target(%arg7 : memref<128xi32, #tpu.memory_space<vmem>>) target_semaphore(%arg15 : memref<!tpu.dma_semaphore, #tpu.memory_space<semaphore_mem>>)
      %mul3A_85 = arith.constant 128 : i32
      %mul3A_86 = arith.muli %min3A_76, %mul3A_85 : i32
      %dma_start3A_87 = tpu.memref_slice %arg6[%mul3A_86] : memref<10000xi32, #tpu.memory_space<vmem>> -> memref<128xi32, #tpu.memory_space<vmem>>
      %dma_start3A_88 = arith.constant 0 : i32
      %dma_start3A_89 = arith.constant 0 : i32
      %dma_start3A_90 = tpu.memref_slice %arg2[%dma_start3A_88, %dma_start3A_89] : memref<10000x128xf32, #tpu.memory_space<hbm>> -> memref<10000x128xf32, #tpu.memory_space<hbm>>
      tpu.enqueue_indirect_dma source(%dma_start3A_90 : memref<10000x128xf32, #tpu.memory_space<hbm>>) target(%arg10 : memref<128x128xf32, #tpu.memory_space<vmem>>) offsets(%dma_start3A_87 : memref<128xi32, #tpu.memory_space<vmem>>) semaphore(%arg13 : memref<!tpu.dma_semaphore, #tpu.memory_space<semaphore_mem>>)
      %add3A_91 = arith.constant 0 : i32
      %add3A_92 = arith.addi %mul3A_2, %add3A_91 : i32
      %dma_wait3A_93 = arith.constant 1 : i32
      %dma_wait3A_94 = tpu.memref_slice %arg3[%dma_wait3A_93, %add3A_92] : memref<2x320000xi32, #tpu.memory_space<hbm>> -> memref<1x128xi32, #tpu.memory_space<hbm>>
      %dma_wait3A_95 = tpu.memref_squeeze %dma_wait3A_94 : memref<1x128xi32, #tpu.memory_space<hbm>> -> memref<128xi32, #tpu.memory_space<hbm>>
      %dma_wait3A_96 = tpu.memref_slice %arg3[%dma_wait3A_93, %add3A_92] : memref<2x320000xi32, #tpu.memory_space<hbm>> -> memref<1x128xi32, #tpu.memory_space<hbm>>
      %dma_wait3A_97 = tpu.memref_squeeze %dma_wait3A_96 : memref<1x128xi32, #tpu.memory_space<hbm>> -> memref<128xi32, #tpu.memory_space<hbm>>
      tpu.wait_dma2 semaphore(%arg16 : memref<!tpu.dma_semaphore, #tpu.memory_space<semaphore_mem>>) src(%dma_wait3A_97 : memref<128xi32, #tpu.memory_space<hbm>>) dst(%arg8 : memref<128xi32, #tpu.memory_space<vmem>>)
      %dma_wait3A_98 = arith.constant 0 : i32
      %dma_wait3A_99 = tpu.memref_slice %arg6[%dma_wait3A_98] : memref<10000xi32, #tpu.memory_space<vmem>> -> memref<128xi32, #tpu.memory_space<vmem>>
      %dma_wait3A_100 = arith.constant 0 : i32
      %dma_wait3A_101 = arith.constant 0 : i32
      %dma_wait3A_102 = tpu.memref_slice %arg2[%dma_wait3A_100, %dma_wait3A_101] : memref<10000x128xf32, #tpu.memory_space<hbm>> -> memref<10000x128xf32, #tpu.memory_space<hbm>>
      tpu.wait_indirect_dma semaphore(%arg14 : memref<!tpu.dma_semaphore, #tpu.memory_space<semaphore_mem>>) src(%dma_wait3A_102 : memref<10000x128xf32, #tpu.memory_space<hbm>>) dst(%arg11 : memref<128x128xf32, #tpu.memory_space<vmem>>)
      "tpu.region"() ({
        %run_scoped3A_103 = tpu.sem_alloc : memref<!tpu.dma_semaphore, #tpu.memory_space<semaphore_mem>>
        %dma_start3A_104 = arith.constant 0 : i32
        %dma_start3A_105 = arith.constant 0 : i32
        %dma_start3A_106 = tpu.memref_slice %arg12[%dma_start3A_104, %dma_start3A_105] : memref<10240x128xf32, #tpu.memory_space<vmem_shared>> -> memref<10240x128xf32, #tpu.memory_space<vmem_shared>>
        tpu.enqueue_indirect_dma source(%arg11 : memref<128x128xf32, #tpu.memory_space<vmem>>) target(%dma_start3A_106 : memref<10240x128xf32, #tpu.memory_space<vmem_shared>>) offsets(%arg8 : memref<128xi32, #tpu.memory_space<vmem>>) semaphore(%run_scoped3A_103 : memref<!tpu.dma_semaphore, #tpu.memory_space<semaphore_mem>>) {add = true}
        %dma_wait3A_107 = arith.constant 0 : i32
        %dma_wait3A_108 = arith.constant 0 : i32
        %dma_wait3A_109 = tpu.memref_slice %arg12[%dma_wait3A_107, %dma_wait3A_108] : memref<10240x128xf32, #tpu.memory_space<vmem_shared>> -> memref<10240x128xf32, #tpu.memory_space<vmem_shared>>
        tpu.wait_indirect_dma semaphore(%run_scoped3A_103 : memref<!tpu.dma_semaphore, #tpu.memory_space<semaphore_mem>>) src(%arg11 : memref<128x128xf32, #tpu.memory_space<vmem>>) dst(%dma_wait3A_109 : memref<10240x128xf32, #tpu.memory_space<vmem_shared>>)
        tpu.yield
      }) : () -> ()
    }
    %scan3A_19 = arith.constant 39 : i32
    %add3A_20 = arith.constant 0 : i32
    %add3A_21 = arith.addi %mul3A_2, %add3A_20 : i32
    %dma_wait3A = arith.constant 1 : i32
    %dma_wait3A_22 = tpu.memref_slice %arg3[%dma_wait3A, %add3A_21] : memref<2x320000xi32, #tpu.memory_space<hbm>> -> memref<1x128xi32, #tpu.memory_space<hbm>>
    %dma_wait3A_23 = tpu.memref_squeeze %dma_wait3A_22 : memref<1x128xi32, #tpu.memory_space<hbm>> -> memref<128xi32, #tpu.memory_space<hbm>>
    %dma_wait3A_24 = tpu.memref_slice %arg3[%dma_wait3A, %add3A_21] : memref<2x320000xi32, #tpu.memory_space<hbm>> -> memref<1x128xi32, #tpu.memory_space<hbm>>
    %dma_wait3A_25 = tpu.memref_squeeze %dma_wait3A_24 : memref<1x128xi32, #tpu.memory_space<hbm>> -> memref<128xi32, #tpu.memory_space<hbm>>
    tpu.wait_dma2 semaphore(%arg15 : memref<!tpu.dma_semaphore, #tpu.memory_space<semaphore_mem>>) src(%dma_wait3A_25 : memref<128xi32, #tpu.memory_space<hbm>>) dst(%arg7 : memref<128xi32, #tpu.memory_space<vmem>>)
    %dma_wait3A_26 = arith.constant 0 : i32
    %dma_wait3A_27 = tpu.memref_slice %arg6[%dma_wait3A_26] : memref<10000xi32, #tpu.memory_space<vmem>> -> memref<128xi32, #tpu.memory_space<vmem>>
    %dma_wait3A_28 = arith.constant 0 : i32
    %dma_wait3A_29 = arith.constant 0 : i32
    %dma_wait3A_30 = tpu.memref_slice %arg2[%dma_wait3A_28, %dma_wait3A_29] : memref<10000x128xf32, #tpu.memory_space<hbm>> -> memref<10000x128xf32, #tpu.memory_space<hbm>>
    tpu.wait_indirect_dma semaphore(%arg13 : memref<!tpu.dma_semaphore, #tpu.memory_space<semaphore_mem>>) src(%dma_wait3A_30 : memref<10000x128xf32, #tpu.memory_space<hbm>>) dst(%arg10 : memref<128x128xf32, #tpu.memory_space<vmem>>)
    %add3A_31 = arith.constant 9984 : i32
    %add3A_32 = arith.addi %mul3A_2, %add3A_31 : i32
    %run_scoped3A_33 = arith.constant 1 : i32
    "tpu.region"() ({
      %run_scoped3A_37 = tpu.sem_alloc : memref<!tpu.dma_semaphore, #tpu.memory_space<semaphore_mem>>
      %dma_start3A_38 = tpu.memref_slice %arg3[%run_scoped3A_33, %add3A_32] : memref<2x320000xi32, #tpu.memory_space<hbm>> -> memref<1x16xi32, #tpu.memory_space<hbm>>
      %dma_start3A_39 = tpu.memref_squeeze %dma_start3A_38 : memref<1x16xi32, #tpu.memory_space<hbm>> -> memref<16xi32, #tpu.memory_space<hbm>>
      %dma_start3A_40 = tpu.memref_slice %arg3[%run_scoped3A_33, %add3A_32] : memref<2x320000xi32, #tpu.memory_space<hbm>> -> memref<1x16xi32, #tpu.memory_space<hbm>>
      %dma_start3A_41 = tpu.memref_squeeze %dma_start3A_40 : memref<1x16xi32, #tpu.memory_space<hbm>> -> memref<16xi32, #tpu.memory_space<hbm>>
      tpu.enqueue_dma source(%dma_start3A_41 : memref<16xi32, #tpu.memory_space<hbm>>) target(%arg9 : memref<16xi32, #tpu.memory_space<vmem>>) target_semaphore(%run_scoped3A_37 : memref<!tpu.dma_semaphore, #tpu.memory_space<semaphore_mem>>)
      %dma_wait3A_42 = tpu.memref_slice %arg3[%run_scoped3A_33, %add3A_32] : memref<2x320000xi32, #tpu.memory_space<hbm>> -> memref<1x16xi32, #tpu.memory_space<hbm>>
      %dma_wait3A_43 = tpu.memref_squeeze %dma_wait3A_42 : memref<1x16xi32, #tpu.memory_space<hbm>> -> memref<16xi32, #tpu.memory_space<hbm>>
      %dma_wait3A_44 = tpu.memref_slice %arg3[%run_scoped3A_33, %add3A_32] : memref<2x320000xi32, #tpu.memory_space<hbm>> -> memref<1x16xi32, #tpu.memory_space<hbm>>
      %dma_wait3A_45 = tpu.memref_squeeze %dma_wait3A_44 : memref<1x16xi32, #tpu.memory_space<hbm>> -> memref<16xi32, #tpu.memory_space<hbm>>
      tpu.wait_dma2 semaphore(%run_scoped3A_37 : memref<!tpu.dma_semaphore, #tpu.memory_space<semaphore_mem>>) src(%dma_wait3A_45 : memref<16xi32, #tpu.memory_space<hbm>>) dst(%arg9 : memref<16xi32, #tpu.memory_space<vmem>>)
      tpu.yield
    }) : () -> ()
    "tpu.region"() ({
      %run_scoped3A_37 = tpu.sem_alloc : memref<!tpu.dma_semaphore, #tpu.memory_space<semaphore_mem>>
      %dma_start3A_38 = arith.constant 0 : i32
      %dma_start3A_39 = arith.constant 0 : i32
      %dma_start3A_40 = tpu.memref_slice %arg10[%dma_start3A_38, %dma_start3A_39] : memref<128x128xf32, #tpu.memory_space<vmem>> -> memref<16x128xf32, #tpu.memory_space<vmem>>
      %dma_start3A_41 = arith.constant 9984 : i32
      %dma_start3A_42 = tpu.memref_slice %arg6[%dma_start3A_41] : memref<10000xi32, #tpu.memory_space<vmem>> -> memref<16xi32, #tpu.memory_space<vmem>>
      %dma_start3A_43 = arith.constant 0 : i32
      %dma_start3A_44 = arith.constant 0 : i32
      %dma_start3A_45 = tpu.memref_slice %arg2[%dma_start3A_43, %dma_start3A_44] : memref<10000x128xf32, #tpu.memory_space<hbm>> -> memref<10000x128xf32, #tpu.memory_space<hbm>>
      tpu.enqueue_indirect_dma source(%dma_start3A_45 : memref<10000x128xf32, #tpu.memory_space<hbm>>) target(%dma_start3A_40 : memref<16x128xf32, #tpu.memory_space<vmem>>) offsets(%dma_start3A_42 : memref<16xi32, #tpu.memory_space<vmem>>) semaphore(%run_scoped3A_37 : memref<!tpu.dma_semaphore, #tpu.memory_space<semaphore_mem>>)
      %dma_wait3A_46 = arith.constant 0 : i32
      %dma_wait3A_47 = arith.constant 0 : i32
      %dma_wait3A_48 = tpu.memref_slice %arg10[%dma_wait3A_46, %dma_wait3A_47] : memref<128x128xf32, #tpu.memory_space<vmem>> -> memref<16x128xf32, #tpu.memory_space<vmem>>
      %dma_wait3A_49 = arith.constant 9984 : i32
      %dma_wait3A_50 = tpu.memref_slice %arg6[%dma_wait3A_49] : memref<10000xi32, #tpu.memory_space<vmem>> -> memref<16xi32, #tpu.memory_space<vmem>>
      %dma_wait3A_51 = arith.constant 0 : i32
      %dma_wait3A_52 = arith.constant 0 : i32
      %dma_wait3A_53 = tpu.memref_slice %arg2[%dma_wait3A_51, %dma_wait3A_52] : memref<10000x128xf32, #tpu.memory_space<hbm>> -> memref<10000x128xf32, #tpu.memory_space<hbm>>
      tpu.wait_indirect_dma semaphore(%run_scoped3A_37 : memref<!tpu.dma_semaphore, #tpu.memory_space<semaphore_mem>>) src(%dma_wait3A_53 : memref<10000x128xf32, #tpu.memory_space<hbm>>) dst(%dma_wait3A_48 : memref<16x128xf32, #tpu.memory_space<vmem>>)
      tpu.yield
    }) : () -> ()
    "tpu.region"() ({
      %run_scoped3A_37 = tpu.sem_alloc : memref<!tpu.dma_semaphore, #tpu.memory_space<semaphore_mem>>
      %dma_start3A_38 = arith.constant 0 : i32
      %dma_start3A_39 = arith.constant 0 : i32
      %dma_start3A_40 = tpu.memref_slice %arg10[%dma_start3A_38, %dma_start3A_39] : memref<128x128xf32, #tpu.memory_space<vmem>> -> memref<16x128xf32, #tpu.memory_space<vmem>>
      %dma_start3A_41 = arith.constant 0 : i32
      %dma_start3A_42 = arith.constant 0 : i32
      %dma_start3A_43 = tpu.memref_slice %arg12[%dma_start3A_41, %dma_start3A_42] : memref<10240x128xf32, #tpu.memory_space<vmem_shared>> -> memref<10240x128xf32, #tpu.memory_space<vmem_shared>>
      tpu.enqueue_indirect_dma source(%dma_start3A_40 : memref<16x128xf32, #tpu.memory_space<vmem>>) target(%dma_start3A_43 : memref<10240x128xf32, #tpu.memory_space<vmem_shared>>) offsets(%arg9 : memref<16xi32, #tpu.memory_space<vmem>>) semaphore(%run_scoped3A_37 : memref<!tpu.dma_semaphore, #tpu.memory_space<semaphore_mem>>) {add = true}
      %dma_wait3A_44 = arith.constant 0 : i32
      %dma_wait3A_45 = arith.constant 0 : i32
      %dma_wait3A_46 = tpu.memref_slice %arg10[%dma_wait3A_44, %dma_wait3A_45] : memref<128x128xf32, #tpu.memory_space<vmem>> -> memref<16x128xf32, #tpu.memory_space<vmem>>
      %dma_wait3A_47 = arith.constant 0 : i32
      %dma_wait3A_48 = arith.constant 0 : i32
      %dma_wait3A_49 = tpu.memref_slice %arg12[%dma_wait3A_47, %dma_wait3A_48] : memref<10240x128xf32, #tpu.memory_space<vmem_shared>> -> memref<10240x128xf32, #tpu.memory_space<vmem_shared>>
      tpu.wait_indirect_dma semaphore(%run_scoped3A_37 : memref<!tpu.dma_semaphore, #tpu.memory_space<semaphore_mem>>) src(%dma_wait3A_46 : memref<16x128xf32, #tpu.memory_space<vmem>>) dst(%dma_wait3A_49 : memref<10240x128xf32, #tpu.memory_space<vmem_shared>>)
      tpu.yield
    }) : () -> ()
    %barrier3A_34 = arith.constant 0 : index
    tpu.barrier barrier_id(%barrier3A_34)
    %mul3A_35 = arith.constant 640 : i32
    %mul3A_36 = arith.muli %arg1, %mul3A_35 : i32
    "tpu.region"() ({
      %run_scoped3A_37 = tpu.sem_alloc : memref<!tpu.dma_semaphore, #tpu.memory_space<semaphore_mem>>
      %dma_start3A_38 = arith.constant 0 : i32
      %dma_start3A_39 = tpu.memref_slice %arg5[%arg0, %mul3A_36, %dma_start3A_38] : memref<2x10240x128xf32, #tpu.memory_space<hbm>> -> memref<1x640x128xf32, #tpu.memory_space<hbm>>
      %dma_start3A_40 = tpu.memref_squeeze %dma_start3A_39 : memref<1x640x128xf32, #tpu.memory_space<hbm>> -> memref<640x128xf32, #tpu.memory_space<hbm>>
      %dma_start3A_41 = arith.constant 0 : i32
      %dma_start3A_42 = tpu.memref_slice %arg12[%mul3A_36, %dma_start3A_41] : memref<10240x128xf32, #tpu.memory_space<vmem_shared>> -> memref<640x128xf32, #tpu.memory_space<vmem_shared>>
      tpu.enqueue_dma source(%dma_start3A_42 : memref<640x128xf32, #tpu.memory_space<vmem_shared>>) target(%dma_start3A_40 : memref<640x128xf32, #tpu.memory_space<hbm>>) target_semaphore(%run_scoped3A_37 : memref<!tpu.dma_semaphore, #tpu.memory_space<semaphore_mem>>)
      %dma_wait3A_43 = arith.constant 0 : i32
      %dma_wait3A_44 = tpu.memref_slice %arg5[%arg0, %mul3A_36, %dma_wait3A_43] : memref<2x10240x128xf32, #tpu.memory_space<hbm>> -> memref<1x640x128xf32, #tpu.memory_space<hbm>>
      %dma_wait3A_45 = tpu.memref_squeeze %dma_wait3A_44 : memref<1x640x128xf32, #tpu.memory_space<hbm>> -> memref<640x128xf32, #tpu.memory_space<hbm>>
      %dma_wait3A_46 = arith.constant 0 : i32
      %dma_wait3A_47 = tpu.memref_slice %arg12[%mul3A_36, %dma_wait3A_46] : memref<10240x128xf32, #tpu.memory_space<vmem_shared>> -> memref<640x128xf32, #tpu.memory_space<vmem_shared>>
      tpu.wait_dma2 semaphore(%run_scoped3A_37 : memref<!tpu.dma_semaphore, #tpu.memory_space<semaphore_mem>>) src(%dma_wait3A_47 : memref<640x128xf32, #tpu.memory_space<vmem_shared>>) dst(%dma_wait3A_45 : memref<640x128xf32, #tpu.memory_space<hbm>>)
      tpu.yield
    }) : () -> ()
    return
  }
}

#map = affine_map<(d0, d1) -> (0, 0)>
#map1 = affine_map<(d0, d1) -> (0, 0, 0)>
module attributes {stable_mosaic.version = 14 : i64} {
  func.func @_degree_body(%arg0: i32, %arg1: i32, %arg2: memref<2x320000xi32, #tpu.memory_space<hbm>>, %arg3: memref<640x16xf32, #tpu.memory_space<hbm>>, %arg4: memref<128x16xf32, #tpu.memory_space<hbm>>, %arg5: memref<2x10240x16xf32, #tpu.memory_space<hbm>>, %arg6: memref<2x10240x16xf32, #tpu.memory_space<hbm>>, %arg7: memref<10000xi32, #tpu.memory_space<vmem>>, %arg8: memref<10000xi32, #tpu.memory_space<vmem>>, %arg9: memref<128x16xf32, #tpu.memory_space<vmem>>, %arg10: memref<10240x16xf32, #tpu.memory_space<vmem_shared>>, %arg11: memref<10240x16xf32, #tpu.memory_space<vmem_shared>>, %arg12: memref<!tpu.dma_semaphore, #tpu.memory_space<semaphore_mem>>, %arg13: memref<!tpu.dma_semaphore, #tpu.memory_space<semaphore_mem>>) attributes {dimension_semantics = [#tpu.dimension_semantics<core_parallel>, #tpu.dimension_semantics<subcore_parallel>], iteration_bounds = array<i64: 2, 16>, scalar_prefetch = 0 : i64, scratch_operands = 7 : i64, tpu.core_type = #tpu.core_type<sc_vector_subcore>, window_params = [{transform_indices = #map}, {transform_indices = #map}, {transform_indices = #map}, {transform_indices = #map1}, {transform_indices = #map1}]} {
    %mul3A = arith.constant 16 : i32
    %mul3A_0 = arith.muli %arg0, %mul3A : i32
    %add3A = arith.addi %mul3A_0, %arg1 : i32
    %mul3A_1 = arith.constant 10000 : i32
    %mul3A_2 = arith.muli %add3A, %mul3A_1 : i32
    "tpu.region"() ({
      %run_scoped3A_45 = tpu.sem_alloc : memref<!tpu.dma_semaphore, #tpu.memory_space<semaphore_mem>>
      tpu.enqueue_dma source(%arg4 : memref<128x16xf32, #tpu.memory_space<hbm>>) target(%arg9 : memref<128x16xf32, #tpu.memory_space<vmem>>) target_semaphore(%run_scoped3A_45 : memref<!tpu.dma_semaphore, #tpu.memory_space<semaphore_mem>>)
      tpu.wait_dma2 semaphore(%run_scoped3A_45 : memref<!tpu.dma_semaphore, #tpu.memory_space<semaphore_mem>>) src(%arg4 : memref<128x16xf32, #tpu.memory_space<hbm>>) dst(%arg9 : memref<128x16xf32, #tpu.memory_space<vmem>>)
      tpu.yield
    }) : () -> ()
    %run_scoped3A = arith.constant 0 : i32
    "tpu.region"() ({
      %run_scoped3A_45 = tpu.sem_alloc : memref<!tpu.dma_semaphore, #tpu.memory_space<semaphore_mem>>
      %dma_start3A_46 = tpu.memref_slice %arg2[%run_scoped3A, %mul3A_2] : memref<2x320000xi32, #tpu.memory_space<hbm>> -> memref<1x10000xi32, #tpu.memory_space<hbm>>
      %dma_start3A_47 = tpu.memref_squeeze %dma_start3A_46 : memref<1x10000xi32, #tpu.memory_space<hbm>> -> memref<10000xi32, #tpu.memory_space<hbm>>
      %dma_start3A_48 = tpu.memref_slice %arg2[%run_scoped3A, %mul3A_2] : memref<2x320000xi32, #tpu.memory_space<hbm>> -> memref<1x10000xi32, #tpu.memory_space<hbm>>
      %dma_start3A_49 = tpu.memref_squeeze %dma_start3A_48 : memref<1x10000xi32, #tpu.memory_space<hbm>> -> memref<10000xi32, #tpu.memory_space<hbm>>
      tpu.enqueue_dma source(%dma_start3A_49 : memref<10000xi32, #tpu.memory_space<hbm>>) target(%arg7 : memref<10000xi32, #tpu.memory_space<vmem>>) target_semaphore(%run_scoped3A_45 : memref<!tpu.dma_semaphore, #tpu.memory_space<semaphore_mem>>)
      %dma_wait3A_50 = tpu.memref_slice %arg2[%run_scoped3A, %mul3A_2] : memref<2x320000xi32, #tpu.memory_space<hbm>> -> memref<1x10000xi32, #tpu.memory_space<hbm>>
      %dma_wait3A_51 = tpu.memref_squeeze %dma_wait3A_50 : memref<1x10000xi32, #tpu.memory_space<hbm>> -> memref<10000xi32, #tpu.memory_space<hbm>>
      %dma_wait3A_52 = tpu.memref_slice %arg2[%run_scoped3A, %mul3A_2] : memref<2x320000xi32, #tpu.memory_space<hbm>> -> memref<1x10000xi32, #tpu.memory_space<hbm>>
      %dma_wait3A_53 = tpu.memref_squeeze %dma_wait3A_52 : memref<1x10000xi32, #tpu.memory_space<hbm>> -> memref<10000xi32, #tpu.memory_space<hbm>>
      tpu.wait_dma2 semaphore(%run_scoped3A_45 : memref<!tpu.dma_semaphore, #tpu.memory_space<semaphore_mem>>) src(%dma_wait3A_53 : memref<10000xi32, #tpu.memory_space<hbm>>) dst(%arg7 : memref<10000xi32, #tpu.memory_space<vmem>>)
      tpu.yield
    }) : () -> ()
    %run_scoped3A_3 = arith.constant 1 : i32
    "tpu.region"() ({
      %run_scoped3A_45 = tpu.sem_alloc : memref<!tpu.dma_semaphore, #tpu.memory_space<semaphore_mem>>
      %dma_start3A_46 = tpu.memref_slice %arg2[%run_scoped3A_3, %mul3A_2] : memref<2x320000xi32, #tpu.memory_space<hbm>> -> memref<1x10000xi32, #tpu.memory_space<hbm>>
      %dma_start3A_47 = tpu.memref_squeeze %dma_start3A_46 : memref<1x10000xi32, #tpu.memory_space<hbm>> -> memref<10000xi32, #tpu.memory_space<hbm>>
      %dma_start3A_48 = tpu.memref_slice %arg2[%run_scoped3A_3, %mul3A_2] : memref<2x320000xi32, #tpu.memory_space<hbm>> -> memref<1x10000xi32, #tpu.memory_space<hbm>>
      %dma_start3A_49 = tpu.memref_squeeze %dma_start3A_48 : memref<1x10000xi32, #tpu.memory_space<hbm>> -> memref<10000xi32, #tpu.memory_space<hbm>>
      tpu.enqueue_dma source(%dma_start3A_49 : memref<10000xi32, #tpu.memory_space<hbm>>) target(%arg8 : memref<10000xi32, #tpu.memory_space<vmem>>) target_semaphore(%run_scoped3A_45 : memref<!tpu.dma_semaphore, #tpu.memory_space<semaphore_mem>>)
      %dma_wait3A_50 = tpu.memref_slice %arg2[%run_scoped3A_3, %mul3A_2] : memref<2x320000xi32, #tpu.memory_space<hbm>> -> memref<1x10000xi32, #tpu.memory_space<hbm>>
      %dma_wait3A_51 = tpu.memref_squeeze %dma_wait3A_50 : memref<1x10000xi32, #tpu.memory_space<hbm>> -> memref<10000xi32, #tpu.memory_space<hbm>>
      %dma_wait3A_52 = tpu.memref_slice %arg2[%run_scoped3A_3, %mul3A_2] : memref<2x320000xi32, #tpu.memory_space<hbm>> -> memref<1x10000xi32, #tpu.memory_space<hbm>>
      %dma_wait3A_53 = tpu.memref_squeeze %dma_wait3A_52 : memref<1x10000xi32, #tpu.memory_space<hbm>> -> memref<10000xi32, #tpu.memory_space<hbm>>
      tpu.wait_dma2 semaphore(%run_scoped3A_45 : memref<!tpu.dma_semaphore, #tpu.memory_space<semaphore_mem>>) src(%dma_wait3A_53 : memref<10000xi32, #tpu.memory_space<hbm>>) dst(%arg8 : memref<10000xi32, #tpu.memory_space<vmem>>)
      tpu.yield
    }) : () -> ()
    %mul3A_4 = arith.constant 640 : i32
    %mul3A_5 = arith.muli %arg1, %mul3A_4 : i32
    "tpu.region"() ({
      %run_scoped3A_45 = tpu.sem_alloc : memref<!tpu.dma_semaphore, #tpu.memory_space<semaphore_mem>>
      %dma_start3A_46 = arith.constant 0 : i32
      %dma_start3A_47 = tpu.memref_slice %arg10[%mul3A_5, %dma_start3A_46] : memref<10240x16xf32, #tpu.memory_space<vmem_shared>> -> memref<640x16xf32, #tpu.memory_space<vmem_shared>>
      tpu.enqueue_dma source(%arg3 : memref<640x16xf32, #tpu.memory_space<hbm>>) target(%dma_start3A_47 : memref<640x16xf32, #tpu.memory_space<vmem_shared>>) target_semaphore(%run_scoped3A_45 : memref<!tpu.dma_semaphore, #tpu.memory_space<semaphore_mem>>)
      %dma_wait3A_48 = arith.constant 0 : i32
      %dma_wait3A_49 = tpu.memref_slice %arg10[%mul3A_5, %dma_wait3A_48] : memref<10240x16xf32, #tpu.memory_space<vmem_shared>> -> memref<640x16xf32, #tpu.memory_space<vmem_shared>>
      tpu.wait_dma2 semaphore(%run_scoped3A_45 : memref<!tpu.dma_semaphore, #tpu.memory_space<semaphore_mem>>) src(%arg3 : memref<640x16xf32, #tpu.memory_space<hbm>>) dst(%dma_wait3A_49 : memref<640x16xf32, #tpu.memory_space<vmem_shared>>)
      tpu.yield
    }) : () -> ()
    %mul3A_6 = arith.constant 640 : i32
    %mul3A_7 = arith.muli %arg1, %mul3A_6 : i32
    "tpu.region"() ({
      %run_scoped3A_45 = tpu.sem_alloc : memref<!tpu.dma_semaphore, #tpu.memory_space<semaphore_mem>>
      %dma_start3A_46 = arith.constant 0 : i32
      %dma_start3A_47 = tpu.memref_slice %arg11[%mul3A_7, %dma_start3A_46] : memref<10240x16xf32, #tpu.memory_space<vmem_shared>> -> memref<640x16xf32, #tpu.memory_space<vmem_shared>>
      tpu.enqueue_dma source(%arg3 : memref<640x16xf32, #tpu.memory_space<hbm>>) target(%dma_start3A_47 : memref<640x16xf32, #tpu.memory_space<vmem_shared>>) target_semaphore(%run_scoped3A_45 : memref<!tpu.dma_semaphore, #tpu.memory_space<semaphore_mem>>)
      %dma_wait3A_48 = arith.constant 0 : i32
      %dma_wait3A_49 = tpu.memref_slice %arg11[%mul3A_7, %dma_wait3A_48] : memref<10240x16xf32, #tpu.memory_space<vmem_shared>> -> memref<640x16xf32, #tpu.memory_space<vmem_shared>>
      tpu.wait_dma2 semaphore(%run_scoped3A_45 : memref<!tpu.dma_semaphore, #tpu.memory_space<semaphore_mem>>) src(%arg3 : memref<640x16xf32, #tpu.memory_space<hbm>>) dst(%dma_wait3A_49 : memref<640x16xf32, #tpu.memory_space<vmem_shared>>)
      tpu.yield
    }) : () -> ()
    %barrier3A = arith.constant 0 : index
    tpu.barrier barrier_id(%barrier3A)
    %scan3A = arith.constant 0 : i32
    %scan3A_8 = arith.constant 78 : i32
    %scan3A_9 = arith.addi %scan3A, %scan3A_8 : i32
    %scan3A_10 = arith.constant 1 : i32
    scf.for %scan3A_45 = %scan3A to %scan3A_9 step %scan3A_10  : i32 {
      %mul3A_46 = arith.constant 1 : i32
      %mul3A_47 = arith.muli %scan3A_45, %mul3A_46 : i32
      %add3A_48 = arith.constant 0 : i32
      %add3A_49 = arith.addi %add3A_48, %mul3A_47 : i32
      %mul3A_50 = arith.constant 128 : i32
      %mul3A_51 = arith.muli %add3A_49, %mul3A_50 : i32
      %dma_start3A_52 = tpu.memref_slice %arg7[%mul3A_51] : memref<10000xi32, #tpu.memory_space<vmem>> -> memref<128xi32, #tpu.memory_space<vmem>>
      %dma_start3A_53 = arith.constant 0 : i32
      %dma_start3A_54 = arith.constant 0 : i32
      %dma_start3A_55 = tpu.memref_slice %arg10[%dma_start3A_53, %dma_start3A_54] : memref<10240x16xf32, #tpu.memory_space<vmem_shared>> -> memref<10240x16xf32, #tpu.memory_space<vmem_shared>>
      tpu.enqueue_indirect_dma source(%arg9 : memref<128x16xf32, #tpu.memory_space<vmem>>) target(%dma_start3A_55 : memref<10240x16xf32, #tpu.memory_space<vmem_shared>>) offsets(%dma_start3A_52 : memref<128xi32, #tpu.memory_space<vmem>>) semaphore(%arg12 : memref<!tpu.dma_semaphore, #tpu.memory_space<semaphore_mem>>) {add = true}
      %dma_start3A_56 = tpu.memref_slice %arg8[%mul3A_51] : memref<10000xi32, #tpu.memory_space<vmem>> -> memref<128xi32, #tpu.memory_space<vmem>>
      %dma_start3A_57 = arith.constant 0 : i32
      %dma_start3A_58 = arith.constant 0 : i32
      %dma_start3A_59 = tpu.memref_slice %arg11[%dma_start3A_57, %dma_start3A_58] : memref<10240x16xf32, #tpu.memory_space<vmem_shared>> -> memref<10240x16xf32, #tpu.memory_space<vmem_shared>>
      tpu.enqueue_indirect_dma source(%arg9 : memref<128x16xf32, #tpu.memory_space<vmem>>) target(%dma_start3A_59 : memref<10240x16xf32, #tpu.memory_space<vmem_shared>>) offsets(%dma_start3A_56 : memref<128xi32, #tpu.memory_space<vmem>>) semaphore(%arg13 : memref<!tpu.dma_semaphore, #tpu.memory_space<semaphore_mem>>) {add = true}
      %dma_wait3A_60 = tpu.memref_slice %arg7[%mul3A_51] : memref<10000xi32, #tpu.memory_space<vmem>> -> memref<128xi32, #tpu.memory_space<vmem>>
      %dma_wait3A_61 = arith.constant 0 : i32
      %dma_wait3A_62 = arith.constant 0 : i32
      %dma_wait3A_63 = tpu.memref_slice %arg10[%dma_wait3A_61, %dma_wait3A_62] : memref<10240x16xf32, #tpu.memory_space<vmem_shared>> -> memref<10240x16xf32, #tpu.memory_space<vmem_shared>>
      tpu.wait_indirect_dma semaphore(%arg12 : memref<!tpu.dma_semaphore, #tpu.memory_space<semaphore_mem>>) src(%arg9 : memref<128x16xf32, #tpu.memory_space<vmem>>) dst(%dma_wait3A_63 : memref<10240x16xf32, #tpu.memory_space<vmem_shared>>)
      %dma_wait3A_64 = tpu.memref_slice %arg8[%mul3A_51] : memref<10000xi32, #tpu.memory_space<vmem>> -> memref<128xi32, #tpu.memory_space<vmem>>
      %dma_wait3A_65 = arith.constant 0 : i32
      %dma_wait3A_66 = arith.constant 0 : i32
      %dma_wait3A_67 = tpu.memref_slice %arg11[%dma_wait3A_65, %dma_wait3A_66] : memref<10240x16xf32, #tpu.memory_space<vmem_shared>> -> memref<10240x16xf32, #tpu.memory_space<vmem_shared>>
      tpu.wait_indirect_dma semaphore(%arg13 : memref<!tpu.dma_semaphore, #tpu.memory_space<semaphore_mem>>) src(%arg9 : memref<128x16xf32, #tpu.memory_space<vmem>>) dst(%dma_wait3A_67 : memref<10240x16xf32, #tpu.memory_space<vmem_shared>>)
    }
    %scan3A_11 = arith.constant 78 : i32
    %dma_start3A = arith.constant 0 : i32
    %dma_start3A_12 = arith.constant 0 : i32
    %dma_start3A_13 = tpu.memref_slice %arg9[%dma_start3A, %dma_start3A_12] : memref<128x16xf32, #tpu.memory_space<vmem>> -> memref<16x16xf32, #tpu.memory_space<vmem>>
    %dma_start3A_14 = arith.constant 9984 : i32
    %dma_start3A_15 = tpu.memref_slice %arg7[%dma_start3A_14] : memref<10000xi32, #tpu.memory_space<vmem>> -> memref<16xi32, #tpu.memory_space<vmem>>
    %dma_start3A_16 = arith.constant 0 : i32
    %dma_start3A_17 = arith.constant 0 : i32
    %dma_start3A_18 = tpu.memref_slice %arg10[%dma_start3A_16, %dma_start3A_17] : memref<10240x16xf32, #tpu.memory_space<vmem_shared>> -> memref<10240x16xf32, #tpu.memory_space<vmem_shared>>
    tpu.enqueue_indirect_dma source(%dma_start3A_13 : memref<16x16xf32, #tpu.memory_space<vmem>>) target(%dma_start3A_18 : memref<10240x16xf32, #tpu.memory_space<vmem_shared>>) offsets(%dma_start3A_15 : memref<16xi32, #tpu.memory_space<vmem>>) semaphore(%arg12 : memref<!tpu.dma_semaphore, #tpu.memory_space<semaphore_mem>>) {add = true}
    %dma_start3A_19 = arith.constant 0 : i32
    %dma_start3A_20 = arith.constant 0 : i32
    %dma_start3A_21 = tpu.memref_slice %arg9[%dma_start3A_19, %dma_start3A_20] : memref<128x16xf32, #tpu.memory_space<vmem>> -> memref<16x16xf32, #tpu.memory_space<vmem>>
    %dma_start3A_22 = arith.constant 9984 : i32
    %dma_start3A_23 = tpu.memref_slice %arg8[%dma_start3A_22] : memref<10000xi32, #tpu.memory_space<vmem>> -> memref<16xi32, #tpu.memory_space<vmem>>
    %dma_start3A_24 = arith.constant 0 : i32
    %dma_start3A_25 = arith.constant 0 : i32
    %dma_start3A_26 = tpu.memref_slice %arg11[%dma_start3A_24, %dma_start3A_25] : memref<10240x16xf32, #tpu.memory_space<vmem_shared>> -> memref<10240x16xf32, #tpu.memory_space<vmem_shared>>
    tpu.enqueue_indirect_dma source(%dma_start3A_21 : memref<16x16xf32, #tpu.memory_space<vmem>>) target(%dma_start3A_26 : memref<10240x16xf32, #tpu.memory_space<vmem_shared>>) offsets(%dma_start3A_23 : memref<16xi32, #tpu.memory_space<vmem>>) semaphore(%arg13 : memref<!tpu.dma_semaphore, #tpu.memory_space<semaphore_mem>>) {add = true}
    %dma_wait3A = arith.constant 0 : i32
    %dma_wait3A_27 = arith.constant 0 : i32
    %dma_wait3A_28 = tpu.memref_slice %arg9[%dma_wait3A, %dma_wait3A_27] : memref<128x16xf32, #tpu.memory_space<vmem>> -> memref<16x16xf32, #tpu.memory_space<vmem>>
    %dma_wait3A_29 = arith.constant 9984 : i32
    %dma_wait3A_30 = tpu.memref_slice %arg7[%dma_wait3A_29] : memref<10000xi32, #tpu.memory_space<vmem>> -> memref<16xi32, #tpu.memory_space<vmem>>
    %dma_wait3A_31 = arith.constant 0 : i32
    %dma_wait3A_32 = arith.constant 0 : i32
    %dma_wait3A_33 = tpu.memref_slice %arg10[%dma_wait3A_31, %dma_wait3A_32] : memref<10240x16xf32, #tpu.memory_space<vmem_shared>> -> memref<10240x16xf32, #tpu.memory_space<vmem_shared>>
    tpu.wait_indirect_dma semaphore(%arg12 : memref<!tpu.dma_semaphore, #tpu.memory_space<semaphore_mem>>) src(%dma_wait3A_28 : memref<16x16xf32, #tpu.memory_space<vmem>>) dst(%dma_wait3A_33 : memref<10240x16xf32, #tpu.memory_space<vmem_shared>>)
    %dma_wait3A_34 = arith.constant 0 : i32
    %dma_wait3A_35 = arith.constant 0 : i32
    %dma_wait3A_36 = tpu.memref_slice %arg9[%dma_wait3A_34, %dma_wait3A_35] : memref<128x16xf32, #tpu.memory_space<vmem>> -> memref<16x16xf32, #tpu.memory_space<vmem>>
    %dma_wait3A_37 = arith.constant 9984 : i32
    %dma_wait3A_38 = tpu.memref_slice %arg8[%dma_wait3A_37] : memref<10000xi32, #tpu.memory_space<vmem>> -> memref<16xi32, #tpu.memory_space<vmem>>
    %dma_wait3A_39 = arith.constant 0 : i32
    %dma_wait3A_40 = arith.constant 0 : i32
    %dma_wait3A_41 = tpu.memref_slice %arg11[%dma_wait3A_39, %dma_wait3A_40] : memref<10240x16xf32, #tpu.memory_space<vmem_shared>> -> memref<10240x16xf32, #tpu.memory_space<vmem_shared>>
    tpu.wait_indirect_dma semaphore(%arg13 : memref<!tpu.dma_semaphore, #tpu.memory_space<semaphore_mem>>) src(%dma_wait3A_36 : memref<16x16xf32, #tpu.memory_space<vmem>>) dst(%dma_wait3A_41 : memref<10240x16xf32, #tpu.memory_space<vmem_shared>>)
    %barrier3A_42 = arith.constant 0 : index
    tpu.barrier barrier_id(%barrier3A_42)
    %mul3A_43 = arith.constant 640 : i32
    %mul3A_44 = arith.muli %arg1, %mul3A_43 : i32
    "tpu.region"() ({
      %run_scoped3A_45 = tpu.sem_alloc : memref<!tpu.dma_semaphore, #tpu.memory_space<semaphore_mem>>
      %dma_start3A_46 = arith.constant 0 : i32
      %dma_start3A_47 = tpu.memref_slice %arg5[%arg0, %mul3A_44, %dma_start3A_46] : memref<2x10240x16xf32, #tpu.memory_space<hbm>> -> memref<1x640x16xf32, #tpu.memory_space<hbm>>
      %dma_start3A_48 = tpu.memref_squeeze %dma_start3A_47 : memref<1x640x16xf32, #tpu.memory_space<hbm>> -> memref<640x16xf32, #tpu.memory_space<hbm>>
      %dma_start3A_49 = arith.constant 0 : i32
      %dma_start3A_50 = tpu.memref_slice %arg10[%mul3A_44, %dma_start3A_49] : memref<10240x16xf32, #tpu.memory_space<vmem_shared>> -> memref<640x16xf32, #tpu.memory_space<vmem_shared>>
      tpu.enqueue_dma source(%dma_start3A_50 : memref<640x16xf32, #tpu.memory_space<vmem_shared>>) target(%dma_start3A_48 : memref<640x16xf32, #tpu.memory_space<hbm>>) target_semaphore(%run_scoped3A_45 : memref<!tpu.dma_semaphore, #tpu.memory_space<semaphore_mem>>)
      %dma_wait3A_51 = arith.constant 0 : i32
      %dma_wait3A_52 = tpu.memref_slice %arg5[%arg0, %mul3A_44, %dma_wait3A_51] : memref<2x10240x16xf32, #tpu.memory_space<hbm>> -> memref<1x640x16xf32, #tpu.memory_space<hbm>>
      %dma_wait3A_53 = tpu.memref_squeeze %dma_wait3A_52 : memref<1x640x16xf32, #tpu.memory_space<hbm>> -> memref<640x16xf32, #tpu.memory_space<hbm>>
      %dma_wait3A_54 = arith.constant 0 : i32
      %dma_wait3A_55 = tpu.memref_slice %arg10[%mul3A_44, %dma_wait3A_54] : memref<10240x16xf32, #tpu.memory_space<vmem_shared>> -> memref<640x16xf32, #tpu.memory_space<vmem_shared>>
      tpu.wait_dma2 semaphore(%run_scoped3A_45 : memref<!tpu.dma_semaphore, #tpu.memory_space<semaphore_mem>>) src(%dma_wait3A_55 : memref<640x16xf32, #tpu.memory_space<vmem_shared>>) dst(%dma_wait3A_53 : memref<640x16xf32, #tpu.memory_space<hbm>>)
      tpu.yield
    }) : () -> ()
    "tpu.region"() ({
      %run_scoped3A_45 = tpu.sem_alloc : memref<!tpu.dma_semaphore, #tpu.memory_space<semaphore_mem>>
      %dma_start3A_46 = arith.constant 0 : i32
      %dma_start3A_47 = tpu.memref_slice %arg6[%arg0, %mul3A_44, %dma_start3A_46] : memref<2x10240x16xf32, #tpu.memory_space<hbm>> -> memref<1x640x16xf32, #tpu.memory_space<hbm>>
      %dma_start3A_48 = tpu.memref_squeeze %dma_start3A_47 : memref<1x640x16xf32, #tpu.memory_space<hbm>> -> memref<640x16xf32, #tpu.memory_space<hbm>>
      %dma_start3A_49 = arith.constant 0 : i32
      %dma_start3A_50 = tpu.memref_slice %arg11[%mul3A_44, %dma_start3A_49] : memref<10240x16xf32, #tpu.memory_space<vmem_shared>> -> memref<640x16xf32, #tpu.memory_space<vmem_shared>>
      tpu.enqueue_dma source(%dma_start3A_50 : memref<640x16xf32, #tpu.memory_space<vmem_shared>>) target(%dma_start3A_48 : memref<640x16xf32, #tpu.memory_space<hbm>>) target_semaphore(%run_scoped3A_45 : memref<!tpu.dma_semaphore, #tpu.memory_space<semaphore_mem>>)
      %dma_wait3A_51 = arith.constant 0 : i32
      %dma_wait3A_52 = tpu.memref_slice %arg6[%arg0, %mul3A_44, %dma_wait3A_51] : memref<2x10240x16xf32, #tpu.memory_space<hbm>> -> memref<1x640x16xf32, #tpu.memory_space<hbm>>
      %dma_wait3A_53 = tpu.memref_squeeze %dma_wait3A_52 : memref<1x640x16xf32, #tpu.memory_space<hbm>> -> memref<640x16xf32, #tpu.memory_space<hbm>>
      %dma_wait3A_54 = arith.constant 0 : i32
      %dma_wait3A_55 = tpu.memref_slice %arg11[%mul3A_44, %dma_wait3A_54] : memref<10240x16xf32, #tpu.memory_space<vmem_shared>> -> memref<640x16xf32, #tpu.memory_space<vmem_shared>>
      tpu.wait_dma2 semaphore(%run_scoped3A_45 : memref<!tpu.dma_semaphore, #tpu.memory_space<semaphore_mem>>) src(%dma_wait3A_55 : memref<640x16xf32, #tpu.memory_space<vmem_shared>>) dst(%dma_wait3A_53 : memref<640x16xf32, #tpu.memory_space<hbm>>)
      tpu.yield
    }) : () -> ()
    return
  }
}

module attributes {stable_mosaic.version = 14 : i64} {
  func.func @_mm_body(%arg0: i32, %arg1: memref<2000x128xf32, #tpu.memory_space<vmem>>, %arg2: memref<128x128xf32, #tpu.memory_space<vmem>>, %arg3: memref<2000x128xf32, #tpu.memory_space<vmem>>) attributes {dimension_semantics = [#tpu.dimension_semantics<arbitrary>], iteration_bounds = array<i64: 5>, scalar_prefetch = 0 : i64, scratch_operands = 0 : i64, tpu.core_type = #tpu.core_type<tc>, window_params = [{transform_indices = @transform_0, window_bounds = array<i64: 2000, 128>}, {pipeline_mode = #tpu.pipeline_mode<synchronous>, transform_indices = @transform_1, window_bounds = array<i64: 128, 128>}, {transform_indices = @transform_2, window_bounds = array<i64: 2000, 128>}]} {
    %get3A = arith.constant 0 : index
    %get3A_0 = arith.constant 0 : index
    %get3A_1 = vector.load %arg1[%get3A, %get3A_0] : memref<2000x128xf32, #tpu.memory_space<vmem>>, vector<2000x128xf32>
    %get3A_2 = arith.constant 0 : index
    %get3A_3 = arith.constant 0 : index
    %get3A_4 = vector.load %arg2[%get3A_2, %get3A_3] : memref<128x128xf32, #tpu.memory_space<vmem>>, vector<128x128xf32>
    %dot_general3A = arith.constant dense<0.000000e+00> : vector<2000x128xf32>
    %dot_general3A_5 = tpu.matmul %get3A_1, %get3A_4, %dot_general3A {dimension_numbers = #tpu.dot_dimension_numbers<[1], [0], [0], [1], [0, 0, 1, 1], [], []>, precision = #tpu.contract_precision<fp32>, transpose_lhs_hint = false} : vector<2000x128xf32>, vector<128x128xf32>, vector<2000x128xf32> -> vector<2000x128xf32>
    %swap3A = arith.constant 0 : index
    %swap3A_6 = arith.constant 0 : index
    %swap3A_7 = vector.load %arg3[%swap3A, %swap3A_6] : memref<2000x128xf32, #tpu.memory_space<vmem>>, vector<2000x128xf32>
    tpu.vector_store %arg3[%swap3A, %swap3A_6], %dot_general3A_5 {strides = array<i32>} : memref<2000x128xf32, #tpu.memory_space<vmem>>, vector<2000x128xf32>,
    return
  }
  func.func @transform_0(%arg0: i32) -> (i32, i32) {
    %c0_i32 = arith.constant 0 : i32
    %c0_i32_0 = arith.constant 0 : i32
    return %arg0, %c0_i32 : i32, i32
  }
  func.func @transform_1(%arg0: i32) -> (i32, i32) {
    %c0_i32 = arith.constant 0 : i32
    %c0_i32_0 = arith.constant 0 : i32
    %c0_i32_1 = arith.constant 0 : i32
    return %c0_i32, %c0_i32_0 : i32, i32
  }
  func.func @transform_2(%arg0: i32) -> (i32, i32) {
    %c0_i32 = arith.constant 0 : i32
    %c0_i32_0 = arith.constant 0 : i32
    return %arg0, %c0_i32 : i32, i32
  }
}

module attributes {stable_mosaic.version = 14 : i64} {
  func.func @_norm_scale_body(%arg0: i32, %arg1: memref<2x10240x16xf32, #tpu.memory_space<any>>, %arg2: memref<2x10240x16xf32, #tpu.memory_space<any>>, %arg3: memref<2000x128xf32, #tpu.memory_space<vmem>>, %arg4: memref<2000x128xf32, #tpu.memory_space<vmem>>, %arg5: memref<2000x1xf32, #tpu.memory_space<vmem>>, %arg6: memref<2000x1xf32, #tpu.memory_space<vmem>>, %arg7: memref<2x2x10240x16xf32, #tpu.memory_space<vmem>>, %arg8: memref<!tpu.dma_semaphore, #tpu.memory_space<semaphore_mem>>) attributes {dimension_semantics = [#tpu.dimension_semantics<arbitrary>], iteration_bounds = array<i64: 5>, scalar_prefetch = 0 : i64, scratch_operands = 2 : i64, tpu.core_type = #tpu.core_type<tc>, window_params = [{}, {}, {transform_indices = @transform_2, window_bounds = array<i64: 2000, 128>}, {transform_indices = @transform_3, window_bounds = array<i64: 2000, 128>}, {transform_indices = @transform_4, window_bounds = array<i64: 2000, 1>}, {transform_indices = @transform_5, window_bounds = array<i64: 2000, 1>}]} {
    %eq3A = arith.constant 0 : i32
    %eq3A_0 = arith.cmpi eq, %arg0, %eq3A : i32
    %convert_element_type3A = arith.extui %eq3A_0 : i1 to i32
    %cond3A = arith.constant 0 : i32
    %cond3A_1 = arith.cmpi ne, %convert_element_type3A, %cond3A : i32
    scf.if %cond3A_1 {
      %dma_start3A = arith.constant 0 : i32
      %dma_start3A_46 = arith.constant 0 : i32
      %dma_start3A_47 = arith.constant 0 : i32
      %dma_start3A_48 = arith.constant 0 : i32
      %dma_start3A_49 = tpu.memref_slice %arg7[%dma_start3A, %dma_start3A_46, %dma_start3A_47, %dma_start3A_48] : memref<2x2x10240x16xf32, #tpu.memory_space<vmem>> -> memref<1x2x10240x16xf32, #tpu.memory_space<vmem>>
      %dma_start3A_50 = tpu.memref_squeeze %dma_start3A_49 : memref<1x2x10240x16xf32, #tpu.memory_space<vmem>> -> memref<2x10240x16xf32, #tpu.memory_space<vmem>>
      tpu.enqueue_dma source(%arg1 : memref<2x10240x16xf32, #tpu.memory_space<any>>) target(%dma_start3A_50 : memref<2x10240x16xf32, #tpu.memory_space<vmem>>) target_semaphore(%arg8 : memref<!tpu.dma_semaphore, #tpu.memory_space<semaphore_mem>>)
      %dma_start3A_51 = arith.constant 1 : i32
      %dma_start3A_52 = arith.constant 0 : i32
      %dma_start3A_53 = arith.constant 0 : i32
      %dma_start3A_54 = arith.constant 0 : i32
      %dma_start3A_55 = tpu.memref_slice %arg7[%dma_start3A_51, %dma_start3A_52, %dma_start3A_53, %dma_start3A_54] : memref<2x2x10240x16xf32, #tpu.memory_space<vmem>> -> memref<1x2x10240x16xf32, #tpu.memory_space<vmem>>
      %dma_start3A_56 = tpu.memref_squeeze %dma_start3A_55 : memref<1x2x10240x16xf32, #tpu.memory_space<vmem>> -> memref<2x10240x16xf32, #tpu.memory_space<vmem>>
      tpu.enqueue_dma source(%arg2 : memref<2x10240x16xf32, #tpu.memory_space<any>>) target(%dma_start3A_56 : memref<2x10240x16xf32, #tpu.memory_space<vmem>>) target_semaphore(%arg8 : memref<!tpu.dma_semaphore, #tpu.memory_space<semaphore_mem>>)
      %dma_wait3A = arith.constant 0 : i32
      %dma_wait3A_57 = arith.constant 0 : i32
      %dma_wait3A_58 = arith.constant 0 : i32
      %dma_wait3A_59 = arith.constant 0 : i32
      %dma_wait3A_60 = tpu.memref_slice %arg7[%dma_wait3A, %dma_wait3A_57, %dma_wait3A_58, %dma_wait3A_59] : memref<2x2x10240x16xf32, #tpu.memory_space<vmem>> -> memref<1x2x10240x16xf32, #tpu.memory_space<vmem>>
      %dma_wait3A_61 = tpu.memref_squeeze %dma_wait3A_60 : memref<1x2x10240x16xf32, #tpu.memory_space<vmem>> -> memref<2x10240x16xf32, #tpu.memory_space<vmem>>
      tpu.wait_dma2 semaphore(%arg8 : memref<!tpu.dma_semaphore, #tpu.memory_space<semaphore_mem>>) src(%arg1 : memref<2x10240x16xf32, #tpu.memory_space<any>>) dst(%dma_wait3A_61 : memref<2x10240x16xf32, #tpu.memory_space<vmem>>)
      %dma_wait3A_62 = arith.constant 1 : i32
      %dma_wait3A_63 = arith.constant 0 : i32
      %dma_wait3A_64 = arith.constant 0 : i32
      %dma_wait3A_65 = arith.constant 0 : i32
      %dma_wait3A_66 = tpu.memref_slice %arg7[%dma_wait3A_62, %dma_wait3A_63, %dma_wait3A_64, %dma_wait3A_65] : memref<2x2x10240x16xf32, #tpu.memory_space<vmem>> -> memref<1x2x10240x16xf32, #tpu.memory_space<vmem>>
      %dma_wait3A_67 = tpu.memref_squeeze %dma_wait3A_66 : memref<1x2x10240x16xf32, #tpu.memory_space<vmem>> -> memref<2x10240x16xf32, #tpu.memory_space<vmem>>
      tpu.wait_dma2 semaphore(%arg8 : memref<!tpu.dma_semaphore, #tpu.memory_space<semaphore_mem>>) src(%arg2 : memref<2x10240x16xf32, #tpu.memory_space<any>>) dst(%dma_wait3A_67 : memref<2x10240x16xf32, #tpu.memory_space<vmem>>)
    } else {
    }
    %mul3A = arith.constant 2000 : i32
    %mul3A_2 = arith.muli %arg0, %mul3A : i32
    %get3A = arith.constant 0 : index
    %get3A_3 = arith.constant 0 : index
    %get3A_4 = arith.index_cast %mul3A_2 : i32 to index
    %get3A_5 = arith.constant 0 : index
    %get3A_6 = vector.load %arg7[%get3A, %get3A_3, %get3A_4, %get3A_5] : memref<2x2x10240x16xf32, #tpu.memory_space<vmem>>, vector<1x1x2000x1xf32>
    %get3A_7 = vector.shape_cast %get3A_6 : vector<1x1x2000x1xf32> to vector<2000x1xf32>
    %get3A_8 = arith.constant 0 : index
    %get3A_9 = arith.constant 1 : index
    %get3A_10 = arith.index_cast %mul3A_2 : i32 to index
    %get3A_11 = arith.constant 0 : index
    %get3A_12 = vector.load %arg7[%get3A_8, %get3A_9, %get3A_10, %get3A_11] : memref<2x2x10240x16xf32, #tpu.memory_space<vmem>>, vector<1x1x2000x1xf32>
    %get3A_13 = vector.shape_cast %get3A_12 : vector<1x1x2000x1xf32> to vector<2000x1xf32>
    %add3A = arith.addf %get3A_7, %get3A_13 : vector<2000x1xf32>
    %get3A_14 = arith.constant 1 : index
    %get3A_15 = arith.constant 0 : index
    %get3A_16 = arith.index_cast %mul3A_2 : i32 to index
    %get3A_17 = arith.constant 0 : index
    %get3A_18 = vector.load %arg7[%get3A_14, %get3A_15, %get3A_16, %get3A_17] : memref<2x2x10240x16xf32, #tpu.memory_space<vmem>>, vector<1x1x2000x1xf32>
    %get3A_19 = vector.shape_cast %get3A_18 : vector<1x1x2000x1xf32> to vector<2000x1xf32>
    %get3A_20 = arith.constant 1 : index
    %get3A_21 = arith.constant 1 : index
    %get3A_22 = arith.index_cast %mul3A_2 : i32 to index
    %get3A_23 = arith.constant 0 : index
    %get3A_24 = vector.load %arg7[%get3A_20, %get3A_21, %get3A_22, %get3A_23] : memref<2x2x10240x16xf32, #tpu.memory_space<vmem>>, vector<1x1x2000x1xf32>
    %get3A_25 = vector.shape_cast %get3A_24 : vector<1x1x2000x1xf32> to vector<2000x1xf32>
    %add3A_26 = arith.addf %get3A_19, %get3A_25 : vector<2000x1xf32>
    %max3A = arith.constant 1.000000e+00 : f32
    %max3A_27 = vector.broadcast %max3A : f32 to vector<2000x1xf32>
    %max3A_28 = arith.maximumf %add3A, %max3A_27 : vector<2000x1xf32>
    %rsqrt3A = math.rsqrt %max3A_28 : vector<2000x1xf32>
    %max3A_29 = arith.constant 1.000000e+00 : f32
    %max3A_30 = vector.broadcast %max3A_29 : f32 to vector<2000x1xf32>
    %max3A_31 = arith.maximumf %add3A_26, %max3A_30 : vector<2000x1xf32>
    %rsqrt3A_32 = math.rsqrt %max3A_31 : vector<2000x1xf32>
    %swap3A = arith.constant 0 : index
    %swap3A_33 = arith.constant 0 : index
    %swap3A_34 = vector.load %arg5[%swap3A, %swap3A_33] : memref<2000x1xf32, #tpu.memory_space<vmem>>, vector<2000x1xf32>
    tpu.vector_store %arg5[%swap3A, %swap3A_33], %rsqrt3A {strides = array<i32>} : memref<2000x1xf32, #tpu.memory_space<vmem>>, vector<2000x1xf32>,
    %swap3A_35 = arith.constant 0 : index
    %swap3A_36 = arith.constant 0 : index
    %swap3A_37 = vector.load %arg6[%swap3A_35, %swap3A_36] : memref<2000x1xf32, #tpu.memory_space<vmem>>, vector<2000x1xf32>
    tpu.vector_store %arg6[%swap3A_35, %swap3A_36], %rsqrt3A_32 {strides = array<i32>} : memref<2000x1xf32, #tpu.memory_space<vmem>>, vector<2000x1xf32>,
    %get3A_38 = arith.constant 0 : index
    %get3A_39 = arith.constant 0 : index
    %get3A_40 = vector.load %arg3[%get3A_38, %get3A_39] : memref<2000x128xf32, #tpu.memory_space<vmem>>, vector<2000x128xf32>
    %mul3A_41 = vector.broadcast %rsqrt3A : vector<2000x1xf32> to vector<2000x128xf32>
    %mul3A_42 = arith.mulf %get3A_40, %mul3A_41 : vector<2000x128xf32>
    %swap3A_43 = arith.constant 0 : index
    %swap3A_44 = arith.constant 0 : index
    %swap3A_45 = vector.load %arg4[%swap3A_43, %swap3A_44] : memref<2000x128xf32, #tpu.memory_space<vmem>>, vector<2000x128xf32>
    tpu.vector_store %arg4[%swap3A_43, %swap3A_44], %mul3A_42 {strides = array<i32>} : memref<2000x128xf32, #tpu.memory_space<vmem>>, vector<2000x128xf32>,
    return
  }
  func.func @transform_2(%arg0: i32) -> (i32, i32) {
    %c0_i32 = arith.constant 0 : i32
    %c0_i32_0 = arith.constant 0 : i32
    return %arg0, %c0_i32 : i32, i32
  }
  func.func @transform_3(%arg0: i32) -> (i32, i32) {
    %c0_i32 = arith.constant 0 : i32
    %c0_i32_0 = arith.constant 0 : i32
    return %arg0, %c0_i32 : i32, i32
  }
  func.func @transform_4(%arg0: i32) -> (i32, i32) {
    %c0_i32 = arith.constant 0 : i32
    %c0_i32_0 = arith.constant 0 : i32
    return %arg0, %c0_i32 : i32, i32
  }
  func.func @transform_5(%arg0: i32) -> (i32, i32) {
    %c0_i32 = arith.constant 0 : i32
    %c0_i32_0 = arith.constant 0 : i32
    return %arg0, %c0_i32 : i32, i32
  }
}

module attributes {stable_mosaic.version = 14 : i64} {
  func.func @_mid_body(%arg0: i32, %arg1: memref<2x2000x128xf32, #tpu.memory_space<vmem>>, %arg2: memref<2000x1xf32, #tpu.memory_space<vmem>>, %arg3: memref<2000x1xf32, #tpu.memory_space<vmem>>, %arg4: memref<1x128xf32, #tpu.memory_space<vmem>>, %arg5: memref<128x128xf32, #tpu.memory_space<vmem>>, %arg6: memref<2000x128xf32, #tpu.memory_space<vmem>>) attributes {dimension_semantics = [#tpu.dimension_semantics<arbitrary>], iteration_bounds = array<i64: 5>, scalar_prefetch = 0 : i64, scratch_operands = 0 : i64, tpu.core_type = #tpu.core_type<tc>, window_params = [{transform_indices = @transform_0, window_bounds = array<i64: 2, 2000, 128>}, {transform_indices = @transform_1, window_bounds = array<i64: 2000, 1>}, {transform_indices = @transform_2, window_bounds = array<i64: 2000, 1>}, {pipeline_mode = #tpu.pipeline_mode<synchronous>, transform_indices = @transform_3, window_bounds = array<i64: 1, 128>}, {pipeline_mode = #tpu.pipeline_mode<synchronous>, transform_indices = @transform_4, window_bounds = array<i64: 128, 128>}, {transform_indices = @transform_5, window_bounds = array<i64: 2000, 128>}]} {
    %get3A = arith.constant 0 : index
    %get3A_0 = arith.constant 0 : index
    %get3A_1 = arith.constant 0 : index
    %get3A_2 = vector.load %arg1[%get3A, %get3A_0, %get3A_1] : memref<2x2000x128xf32, #tpu.memory_space<vmem>>, vector<1x2000x128xf32>
    %get3A_3 = vector.shape_cast %get3A_2 : vector<1x2000x128xf32> to vector<2000x128xf32>
    %get3A_4 = arith.constant 1 : index
    %get3A_5 = arith.constant 0 : index
    %get3A_6 = arith.constant 0 : index
    %get3A_7 = vector.load %arg1[%get3A_4, %get3A_5, %get3A_6] : memref<2x2000x128xf32, #tpu.memory_space<vmem>>, vector<1x2000x128xf32>
    %get3A_8 = vector.shape_cast %get3A_7 : vector<1x2000x128xf32> to vector<2000x128xf32>
    %add3A = arith.addf %get3A_3, %get3A_8 : vector<2000x128xf32>
    %get3A_9 = arith.constant 0 : index
    %get3A_10 = arith.constant 0 : index
    %get3A_11 = vector.load %arg2[%get3A_9, %get3A_10] : memref<2000x1xf32, #tpu.memory_space<vmem>>, vector<2000x1xf32>
    %mul3A = vector.broadcast %get3A_11 : vector<2000x1xf32> to vector<2000x128xf32>
    %mul3A_12 = arith.mulf %add3A, %mul3A : vector<2000x128xf32>
    %get3A_13 = arith.constant 0 : index
    %get3A_14 = arith.constant 0 : index
    %get3A_15 = vector.load %arg4[%get3A_13, %get3A_14] : memref<1x128xf32, #tpu.memory_space<vmem>>, vector<1x128xf32>
    %add3A_16 = vector.broadcast %get3A_15 : vector<1x128xf32> to vector<2000x128xf32>
    %add3A_17 = arith.addf %mul3A_12, %add3A_16 : vector<2000x128xf32>
    %max3A = arith.constant 0.000000e+00 : f32
    %max3A_18 = vector.broadcast %max3A : f32 to vector<2000x128xf32>
    %max3A_19 = arith.maximumf %add3A_17, %max3A_18 : vector<2000x128xf32>
    %get3A_20 = arith.constant 0 : index
    %get3A_21 = arith.constant 0 : index
    %get3A_22 = vector.load %arg3[%get3A_20, %get3A_21] : memref<2000x1xf32, #tpu.memory_space<vmem>>, vector<2000x1xf32>
    %mul3A_23 = vector.broadcast %get3A_22 : vector<2000x1xf32> to vector<2000x128xf32>
    %mul3A_24 = arith.mulf %max3A_19, %mul3A_23 : vector<2000x128xf32>
    %get3A_25 = arith.constant 0 : index
    %get3A_26 = arith.constant 0 : index
    %get3A_27 = vector.load %arg5[%get3A_25, %get3A_26] : memref<128x128xf32, #tpu.memory_space<vmem>>, vector<128x128xf32>
    %dot_general3A = arith.constant dense<0.000000e+00> : vector<2000x128xf32>
    %dot_general3A_28 = tpu.matmul %mul3A_24, %get3A_27, %dot_general3A {dimension_numbers = #tpu.dot_dimension_numbers<[1], [0], [0], [1], [0, 0, 1, 1], [], []>, precision = #tpu.contract_precision<fp32>, transpose_lhs_hint = false} : vector<2000x128xf32>, vector<128x128xf32>, vector<2000x128xf32> -> vector<2000x128xf32>
    %swap3A = arith.constant 0 : index
    %swap3A_29 = arith.constant 0 : index
    %swap3A_30 = vector.load %arg6[%swap3A, %swap3A_29] : memref<2000x128xf32, #tpu.memory_space<vmem>>, vector<2000x128xf32>
    tpu.vector_store %arg6[%swap3A, %swap3A_29], %dot_general3A_28 {strides = array<i32>} : memref<2000x128xf32, #tpu.memory_space<vmem>>, vector<2000x128xf32>,
    return
  }
  func.func @transform_0(%arg0: i32) -> (i32, i32, i32) {
    %c0_i32 = arith.constant 0 : i32
    %c0_i32_0 = arith.constant 0 : i32
    %c0_i32_1 = arith.constant 0 : i32
    return %c0_i32, %arg0, %c0_i32_0 : i32, i32, i32
  }
  func.func @transform_1(%arg0: i32) -> (i32, i32) {
    %c0_i32 = arith.constant 0 : i32
    %c0_i32_0 = arith.constant 0 : i32
    return %arg0, %c0_i32 : i32, i32
  }
  func.func @transform_2(%arg0: i32) -> (i32, i32) {
    %c0_i32 = arith.constant 0 : i32
    %c0_i32_0 = arith.constant 0 : i32
    return %arg0, %c0_i32 : i32, i32
  }
  func.func @transform_3(%arg0: i32) -> (i32, i32) {
    %c0_i32 = arith.constant 0 : i32
    %c0_i32_0 = arith.constant 0 : i32
    %c0_i32_1 = arith.constant 0 : i32
    return %c0_i32, %c0_i32_0 : i32, i32
  }
  func.func @transform_4(%arg0: i32) -> (i32, i32) {
    %c0_i32 = arith.constant 0 : i32
    %c0_i32_0 = arith.constant 0 : i32
    %c0_i32_1 = arith.constant 0 : i32
    return %c0_i32, %c0_i32_0 : i32, i32
  }
  func.func @transform_5(%arg0: i32) -> (i32, i32) {
    %c0_i32 = arith.constant 0 : i32
    %c0_i32_0 = arith.constant 0 : i32
    return %arg0, %c0_i32 : i32, i32
  }
}

module attributes {stable_mosaic.version = 14 : i64} {
  func.func @_final_body(%arg0: i32, %arg1: memref<2x2000x128xf32, #tpu.memory_space<vmem>>, %arg2: memref<2000x1xf32, #tpu.memory_space<vmem>>, %arg3: memref<1x128xf32, #tpu.memory_space<vmem>>, %arg4: memref<2000x128xf32, #tpu.memory_space<vmem>>) attributes {dimension_semantics = [#tpu.dimension_semantics<arbitrary>], iteration_bounds = array<i64: 5>, scalar_prefetch = 0 : i64, scratch_operands = 0 : i64, tpu.core_type = #tpu.core_type<tc>, window_params = [{transform_indices = @transform_0, window_bounds = array<i64: 2, 2000, 128>}, {transform_indices = @transform_1, window_bounds = array<i64: 2000, 1>}, {pipeline_mode = #tpu.pipeline_mode<synchronous>, transform_indices = @transform_2, window_bounds = array<i64: 1, 128>}, {transform_indices = @transform_3, window_bounds = array<i64: 2000, 128>}]} {
    %get3A = arith.constant 0 : index
    %get3A_0 = arith.constant 0 : index
    %get3A_1 = arith.constant 0 : index
    %get3A_2 = vector.load %arg1[%get3A, %get3A_0, %get3A_1] : memref<2x2000x128xf32, #tpu.memory_space<vmem>>, vector<1x2000x128xf32>
    %get3A_3 = vector.shape_cast %get3A_2 : vector<1x2000x128xf32> to vector<2000x128xf32>
    %get3A_4 = arith.constant 1 : index
    %get3A_5 = arith.constant 0 : index
    %get3A_6 = arith.constant 0 : index
    %get3A_7 = vector.load %arg1[%get3A_4, %get3A_5, %get3A_6] : memref<2x2000x128xf32, #tpu.memory_space<vmem>>, vector<1x2000x128xf32>
    %get3A_8 = vector.shape_cast %get3A_7 : vector<1x2000x128xf32> to vector<2000x128xf32>
    %add3A = arith.addf %get3A_3, %get3A_8 : vector<2000x128xf32>
    %get3A_9 = arith.constant 0 : index
    %get3A_10 = arith.constant 0 : index
    %get3A_11 = vector.load %arg2[%get3A_9, %get3A_10] : memref<2000x1xf32, #tpu.memory_space<vmem>>, vector<2000x1xf32>
    %mul3A = vector.broadcast %get3A_11 : vector<2000x1xf32> to vector<2000x128xf32>
    %mul3A_12 = arith.mulf %add3A, %mul3A : vector<2000x128xf32>
    %get3A_13 = arith.constant 0 : index
    %get3A_14 = arith.constant 0 : index
    %get3A_15 = vector.load %arg3[%get3A_13, %get3A_14] : memref<1x128xf32, #tpu.memory_space<vmem>>, vector<1x128xf32>
    %add3A_16 = vector.broadcast %get3A_15 : vector<1x128xf32> to vector<2000x128xf32>
    %add3A_17 = arith.addf %mul3A_12, %add3A_16 : vector<2000x128xf32>
    %swap3A = arith.constant 0 : index
    %swap3A_18 = arith.constant 0 : index
    %swap3A_19 = vector.load %arg4[%swap3A, %swap3A_18] : memref<2000x128xf32, #tpu.memory_space<vmem>>, vector<2000x128xf32>
    tpu.vector_store %arg4[%swap3A, %swap3A_18], %add3A_17 {strides = array<i32>} : memref<2000x128xf32, #tpu.memory_space<vmem>>, vector<2000x128xf32>,
    return
  }
  func.func @transform_0(%arg0: i32) -> (i32, i32, i32) {
    %c0_i32 = arith.constant 0 : i32
    %c0_i32_0 = arith.constant 0 : i32
    %c0_i32_1 = arith.constant 0 : i32
    return %c0_i32, %arg0, %c0_i32_0 : i32, i32, i32
  }
  func.func @transform_1(%arg0: i32) -> (i32, i32) {
    %c0_i32 = arith.constant 0 : i32
    %c0_i32_0 = arith.constant 0 : i32
    return %arg0, %c0_i32 : i32, i32
  }
  func.func @transform_2(%arg0: i32) -> (i32, i32) {
    %c0_i32 = arith.constant 0 : i32
    %c0_i32_0 = arith.constant 0 : i32
    %c0_i32_1 = arith.constant 0 : i32
    return %c0_i32, %c0_i32_0 : i32, i32
  }
  func.func @transform_3(%arg0: i32) -> (i32, i32) {
    %c0_i32 = arith.constant 0 : i32
    %c0_i32_0 = arith.constant 0 : i32
    return %arg0, %c0_i32 : i32, i32
  }
}

</mosaic_0001>

<sc_bundles>
// kernel: kernel.12.cloned.1.call-start
scs
__scs_entry_jumppad:
0x0: {  	(pc) =	sbr.rel $0x88, $3  }
0x1: {  	(tag) =	ssettag $0x0;
	lr =	simm.s32 $0x1  }
0x2: {  	[smem:$0x3F9B] =	sst lr;
	_ =	strace $0xD0000000  }
0x3: {  	_ = 	snop  }
0x4: {  	_ = 	snop  }
0x5: {  	_ = 	snop  }
0x6: {  	_ = 	snop  }
0x7: {  	_ = 	snop  }
__scs_overlays_trampoline_lowered:
0x8: {  	[smem:$0x3FAA] =	sst s0  }
0x9: {  	[smem:$0x3FAB] =	sst s1  }
0xa: {  	[smem:$0x3FAC] =	sst s2  }
0xb: {  	[smem:$0x3FAD] =	sst s3  }
0xc: {  	[smem:$0x3FAE] =	sst s4  }
0xd: {  	[smem:$0x3FAF] =	sst s5  }
0xe: {  	[smem:$0x3FB0] =	sst s6  }
0xf: {  	[smem:$0x3FB1] =	sst s7  }
0x10: {  	[smem:$0x3FB2] =	sst s8  }
0x11: {  	[smem:$0x3FB3] =	sst s9;
	s0 =	simm.s32 @!p0 $0x0  }
0x12: {  	s1 =	sld [smem:$0x3F99];
	s0 =	simm.s32 @p0 $0x1  }
0x13: {  	[smem:$0x3FB4] =	sst s0;
	s0 =	simm.s32 @!p1 $0x0  }
0x14: {  	s2 =	sld [smem:$0x3F98];
	s0 =	simm.s32 @p1 $0x1  }
0x15: {  	[smem:$0x3FB5] =	sst s0;
	s0 =	simm.s32 @!p2 $0x0  }
0x16: {  	s3 =	sld [smem:$0x3FDB];
	s0 =	simm.s32 @p2 $0x1  }
0x17: {  	s4 =	simm.s32 $0x1BF5;
	[smem:$0x3FB7] =	sst s0  }
0x18: {  	s0 =	sld [smem:$0x3F9A];
	_ =	swait.ge [sflag:s4], $0x0  }
0x19: {  	s7 =	sld [smem:$0x3F9B]  }
0x1a: {  	s8 =	sadd.s32 $0xFFFFE003, lr  }
0x1b: {  	s9 =	sadd.s32 $0xFFFFFEF7, lr;
	s5 =	simm.s32 $0xFFFFFFFF;
	p2 =	slt.u32 s8, $0xFFFFF086  }
0x1c: {  	p1 =	slt.u32 s9, $0xF7A;
	s5 =	simm.s32 @!p2 $0x0  }
0x1d: {  	s5 =	simm.s32 @p1 $0x1;
	p0 =	seq.s32 s7, s2  }
0x1e: {  	s7 =	smul.u32 @!p0 $0xF7A, s2;
	p2 =	seq.s32 @!p0 s5, $0x0  }
0x1f: {  	s9 =	smul.u32 $0xF7A, s1;
	s8 =	simm.s32 @!p0 $0x1BF5;
	p2 =	por !p2, p0  }
0x20: {  	[sflag:s8] =	ssyncset.s32 @!p0 $0xFFFFF086;
	s6 =	sadd.s32 @!p0 s3, s7;
	s7 =	simm.s32 @!p0 $0x108  }
0x21: {  	s3 =	sadd.s32 s3, s9;
	s6 =	sadd.s32 @!p0 $0x88, s6;
	s7 =	simm.s32 @p2 $0x1082  }
0x22: {  	[simem:s7], [sflag:s8] =	dma.local @!p0 [hbm:s6], $0xF7A  }
0x23: {  	s9 =	sor.u32 $0xD0000000, s2;
	s6 =	simm.s32 $0x108;
	_ =	swait.ge @!p0 [sflag:s8], $0x0  }
0x24: {  	s3 =	sadd.s32 $0x88, s3;
	s6 =	simm.s32 @!p1 $0x1082;
	[sflag:s4] =	ssyncset.s32 $0xFFFFF086  }
0x25: {  	[simem:s6], [sflag:s4] =	dma.local [hbm:s3], $0xF7A  }
0x26: {  	[smem:$0x3F9B] =	sst s1;
	(tag) =	ssettag s2;
	_ =	strace s9  }
0x27: {  	s1 =	sld [smem:$0x3FAB]  }
0x28: {  	s2 =	sld [smem:$0x3FAC]  }
0x29: {  	s4 =	sld [smem:$0x3FAE]  }
0x2a: {  	p0 =	seq.s32 s5, $0x0;
	s5 =	sld [smem:$0x3FAF]  }
0x2b: {  	s6 =	sld [smem:$0x3FB0]  }
0x2c: {  	s7 =	sld [smem:$0x3FB1]  }
0x2d: {  	s3 =	simm.s32 $0x108;
	s8 =	sld [smem:$0x3FB2]  }
0x2e: {  	s3 =	simm.s32 @!p0 $0x1082;
	s9 =	sld [smem:$0x3FB3]  }
0x2f: {  	lr =	sadd.s32 s0, s3;
	s0 =	sld [smem:$0x3FAA]  }
0x30: {  	s3 =	sld [smem:$0x3FAD]  }
0x31: {  	[smem:$0x3FB6] =	sst s10  }
0x32: {  	s10 =	sld [smem:$0x3FB4];
	_ =	sdelay $0x3  }
0x33: {  	p0 =	seq.s32 s10, $0x1;
	s10 =	sld [smem:$0x3FB6];
	_ =	sdelay $0x3  }
0x34: {  	[smem:$0x3FB6] =	sst s10  }
0x35: {  	s10 =	sld [smem:$0x3FB5];
	_ =	sdelay $0x3  }
0x36: {  	p1 =	seq.s32 s10, $0x1;
	s10 =	sld [smem:$0x3FB6];
	_ =	sdelay $0x3  }
0x37: {  	[smem:$0x3FB6] =	sst s10  }
0x38: {  	s10 =	sld [smem:$0x3FB7]  }
0x39: {  	_ = 	snop;
	(pc) =	sbr.ind lr, $3  }
0x3a: {  	_ = 	snop  }
0x3b: {  	_ = 	snop  }
0x3c: {  	p2 =	seq.s32 s10, $0x1;
	s10 =	sld [smem:$0x3FB6]  }
0x3d: {  	_ =	shalt  }
0x3e: {  	_ =	shalt  }
0x3f: {  	_ =	shalt  }
0x40: {  	_ =	shalt  }
0x41: {  	_ =	shalt  }
0x42: {  	_ =	shalt  }
0x43: {  	_ =	shalt  }
0x44: {  	_ =	shalt  }
0x45: {  	_ =	shalt  }
0x46: {  	_ =	shalt  }
0x47: {  	_ =	shalt  }
0x48: {  	_ =	shalt  }
0x49: {  	_ =	shalt  }
0x4a: {  	_ =	shalt  }
0x4b: {  	_ =	shalt  }
0x4c: {  	_ =	shalt  }
0x4d: {  	_ =	shalt  }
0x4e: {  	_ =	shalt  }
0x4f: {  	_ =	shalt  }
0x50: {  	_ =	shalt  }
0x51: {  	_ =	shalt  }
0x52: {  	_ =	shalt  }
0x53: {  	_ =	shalt  }
0x54: {  	_ =	shalt  }
0x55: {  	_ =	shalt  }
0x56: {  	_ =	shalt  }
0x57: {  	_ =	shalt  }
0x58: {  	_ =	shalt  }
0x59: {  	_ =	shalt  }
0x5a: {  	_ =	shalt  }
0x5b: {  	_ =	shalt  }
0x5c: {  	_ =	shalt  }
0x5d: {  	_ =	shalt  }
0x5e: {  	_ =	shalt  }
0x5f: {  	_ =	shalt  }
0x60: {  	_ =	shalt  }
0x61: {  	_ =	shalt  }
0x62: {  	_ =	shalt  }
0x63: {  	_ =	shalt  }
0x64: {  	_ =	shalt  }
0x65: {  	_ =	shalt  }
0x66: {  	_ =	shalt  }
0x67: {  	_ =	shalt  }
0x68: {  	_ =	shalt  }
0x69: {  	_ =	shalt  }
0x6a: {  	_ =	shalt  }
0x6b: {  	_ =	shalt  }
0x6c: {  	_ =	shalt  }
0x6d: {  	_ =	shalt  }
0x6e: {  	_ =	shalt  }
0x6f: {  	_ =	shalt  }
0x70: {  	_ =	shalt  }
0x71: {  	_ =	shalt  }
0x72: {  	_ =	shalt  }
0x73: {  	_ =	shalt  }
0x74: {  	_ =	shalt  }
0x75: {  	_ =	shalt  }
0x76: {  	_ =	shalt  }
0x77: {  	_ =	shalt  }
0x78: {  	_ =	shalt  }
0x79: {  	_ =	shalt  }
0x7a: {  	_ =	shalt  }
0x7b: {  	_ =	shalt  }
0x7c: {  	_ =	shalt  }
0x7d: {  	_ =	shalt  }
0x7e: {  	_ =	shalt  }
0x7f: {  	_ =	shalt  }
0x80: {  	_ =	shalt  }
0x81: {  	_ =	shalt  }
0x82: {  	_ =	shalt  }
0x83: {  	_ =	shalt  }
0x84: {  	_ =	shalt  }
0x85: {  	_ =	shalt  }
0x86: {  	_ =	shalt  }
0x87: {  	_ =	shalt  }
.Lfunc_end0:
.L_simem_size_0:
called_computation.1_lowered:
.L_overlay_start_0:
0x88: {  	s2 =	sld [smem:$0x3FD9]  }
0x89: {  	s3 =	sld [smem:$0x3FFE];
	_ =	sdelay $0x1  }
0x8a: {  	s1 =	srdreg.scid  }
0x8b: {  	s0 =	sand.u32 $0x1, s1  }
0x8c: {  	s17 =	sshll.u32 s0, $0xA;
	s2 =	sadd.s32 s3, s2  }
0x8d: {  	s2 =	sadd.s32 s2, s17  }
0x8e: {  	[smem:$0x3FC2] =	sst s2  }
0x8f: {  	_ = 	snop  }
0x90: {  	s2 =	sld [smem:$0x3FD0];
	(tm) =	ssettm $0x1  }
0x91: {  	s18 =	sld [smem:$0x3FFB];
	_ =	sdelay $0x3  }
0x92: {  	_ =	strace s18  }
0x93: {  	s3 =	sld [smem:$0x3FFC];
	_ =	sdelay $0x3  }
0x94: {  	_ =	strace s3  }
0x95: {  	s3 =	sld [smem:$0x3FFD];
	_ =	sdelay $0x3  }
0x96: {  	_ =	strace s3  }
0x97: {  	_ =	strace $0x8FFFFFFF  }
0x98: {  	s19 =	sld [smem:$0x3FDB];
	_ =	sdelay $0x1  }
0x99: {  	s4 =	simm.s32 $_scs_section_size  }
0x9a: {  	s5 =	simm.s32 $_size__tile_overlayer_lowered;
	s6 =	simm.s32 $_tile_overlayer_lowered  }
0x9b: {  	s22 =	simm.s32 $0x1BFF;
	s21 =	sshll.u32 s6, $0x1;
	s3 =	sadd.s32 s4, s19  }
0x9c: {  	s7 =	simm.s32 $0x0;
	s20 =	sshll.u32 s5, $0x1;
	s5 =	sadd.s32 s21, s3  }
0x9d: {  	[timem:s7], [sflag:s22] =	dma.local [hbm:s5], s20  }
0x9e: {  	_ =	swait.ge [sflag:s22], s20  }
0x9f: {  	s4 =	ssub.s32 $0x0, s20;
	[sflag:s22] =	ssyncset.done $0x0  }
0xa0: {  	[sflag:s22] =	ssyncadd.s32 s4;
	_ =	sdelay $0x1  }
0xa1: {  	s23 =	simm.s32 $0x1B8B  }
0xa2: {  	_ =	swait.ge [sflag:s23], $0x1  }
0xa3: {  	[sflag:s23] =	ssyncset.done $0x0  }
0xa4: {  	s25 =	simm.s32 $0x1B8E;
	s24 =	sld [smem:$0x3FFE];
	[sflag:s23] =	ssyncadd.s32 $0xFFFFFFFF  }
0xa5: {  	s26 =	simm.s32 $execute0_lowered;
	[smem:$0x3FD2] =	sst s25  }
0xa6: {  	s5 =	sshll.u32 s26, $0x1;
	_ =	strace $0x80000049;
	[dreg:$0x1] =	wrdreg $0xFFFFFFFF  }
0xa7: {  	s28 =	simm.s32 $_size_execute0_lowered;
	s3 =	sadd.s32 s3, s5;
	[dreg:$0x0] =	wrdreg $0x0  }
0xa8: {  	s5 =	sshll.u32 s28, $0x1;
	[dreg:$0x2] =	wrdreg s3  }
0xa9: {  	[dreg:$0x3] =	wrdreg s5  }
0xaa: {  	[dreg:$0x4] =	wrdreg $0xC0  }
0xab: {  	_ =	task [dreg:s7], $0x5FFFF  }
0xac: {  	[dreg:$0x1] =	wrdreg $0xFFFFFFFF  }
0xad: {  	[dreg:$0x0] =	wrdreg $0x60  }
0xae: {  	[dreg:$0x2] =	wrdreg s2  }
0xaf: {  	[dreg:$0x3] =	wrdreg s24  }
0xb0: {  	[dreg:$0x4] =	wrdreg $0xA8200  }
0xb1: {  	[dreg:$0x5] =	wrdreg $0x9  }
0xb2: {  	_ =	task.clear_ibuf [dreg:s7], $0x6FFFF;
	_ =	strace $0x90000049  }
0xb3: {  	s29 =	simm.s32 $0x9;
	_ =	strace $0x8000004B  }
0xb4: {  	_ =	swait.ge [sflag:s29], $0x1  }
0xb5: {  	[sflag:s29] =	ssyncadd.s32 $0xFFFFFFFF  }
0xb6: {  	_ =	strace $0x9000004B  }
0xb7: {  	_ =	sfence  }
0xb8: {  	s30 =	sld [smem:$0x0];
	_ =	sdelay $0x2  }
0xb9: {  	s31 =	sshll.u32 s1, $0xD;
	s1 =	sshrl.u32 s1, $0x2  }
0xba: {  	s3 =	sand.u32 $0x4000, s31;
	s1 =	sadd.s32 s1, s30  }
0xbb: {  	s0 =	sor.u32 s3, s0;
	s1 =	sshll.u32 s1, $0x11  }
0xbc: {  	s0 =	sor.u32 s1, s0  }
0xbd: {  	s0 =	sadd.s32 $0x8F2B, s0  }
0xbe: {  	[sflag:s0] =	ssyncadd.remote.s32 $0x1  }
0xbf: {  	_ =	sfence.sel $0xFFFF  }
0xc0: {  	[dreg:$0x0] =	wrdreg $0xFFFFFFFF;
	(pc) =	sbr.abs _section_cstart, $3  }
0xc1: {  	[dreg:$0x1] =	wrdreg $0xFFFFFFFF  }
0xc2: {  	_ =	task.clear_ibuf [dreg:s7], $0x2FFFF;
	_ =	strace $0x9FFFFFFF  }
0xc3: {  	(tm) =	ssettm $0x7FFFFFFF  }
tec
execute0_lowered:
.L_overlay_start_1:
0x0: {  	(tag) =	ssettag $0x1  }
0x1: {  	s1 =	rddreg [dreg:$0x0]  }
0x2: {  	s0 =	rddreg [dreg:$0x1]  }
0x3: {  	s3 =	rddreg [dreg:$0x2]  }
0x4: {  	s2 =	srdreg.scid;
	s14 =	stileid.u32  }
0x5: {  	s4 =	simm.s32 $0x0;
	s17 =	simm.s32 $0x2710;
	s18 =	simm.s32 $0x2820  }
0x6: {  	s19 =	simm.s32 $0x2790;
	s20 =	simm.s32 $0x80;
	s28 =	simm.s32 $0x2810  }
0x7: {  	s29 =	simm.s32 $0x10;
	s31 =	simm.s32 $0x0;
	s2 =	sand.u32 $0x1, s2  }
0x8: {  	s7 =	smul.u32 $0x14000, s14;
	[smem:$0x7FF] =	sst s4;
	s13 =	sadd.s32 $0x2A00, s0  }
0x9: {  	s21 =	sadd.s32 $0x16400, s0;
	s10 =	smul.u32 $0x2710, s14;
	s30 =	sshll.u32 s14, $0x6  }
0xa: {  	s5 =	smul.u32 $0x140000, s2;
	_ =	strace $0x8000004A;
	s6 =	sshll.u32 s2, $0x4  }
0xb: {  	[dreg:$0x4] =	wrdreg s21;
	s22 =	ssub.s32 $0x2, s2;
	s2 =	smul.u32 $0x27100, s2  }
0xc: {  	s15 =	sor.u32 $0x1C05, s30;
	s21 =	simm.s32 $0x6820;
	s6 =	sor.u32 s14, s6  }
0xd: {  	s9 =	sshrl.u32 s22, $0x1;
	s16 =	sadd.s32 s7, s3;
	s14 =	simm.s32 $0x5  }
0xe: {  	s8 =	sadd.s32 s7, s5;
	s6 =	smul.u32 $0x2710, s6;
	s11 =	ssub.s32 s22, s9  }
0xf: {  	s2 =	sadd.s32 s10, s2;
	s16 =	sshrl.u32 s16, $0x3;
	s22 =	simm.s32 $0x3  }
0x10: {  	s8 =	sshrl.u32 s8, $0x3;
	s10 =	smax.u32 s11, $0x1;
	s25 =	sadd.s32 $0x4E280, s2  }
0x11: {  	s2 =	sadd.s32 $0x4E300, s2;
	s0 =	sadd.s32 s8, s0;
	s6 =	sshrl.u32 s6, $0x3  }
0x12: {  	s26 =	sshrl.u32 s2, $0x3;
	s6 =	sadd.s32 s13, s6;
	s9 =	sadd.s32 $0x18C00, s0  }
0x13: {  	s0 =	sshrl.u32 s25, $0x3;
	s25 =	simm.s32 $0x2;
	s23 =	sadd.s32 $0x9C40, s6  }
0x14: {  	s24 =	sadd.s32 $0xA120, s6;
	s11 =	sadd.s32 $0xA110, s6;
	s12 =	sadd.s32 s0, s13  }
0x15: {  	s13 =	sadd.s32 s26, s13;
	s26 =	simm.s32 $0x2680;
	[dreg:$0x5] =	wrdreg s23  }
0x16: {  	[dreg:$0x6] =	wrdreg s24;
	s23 =	simm.s32 $0x1;
	s24 =	simm.s32 $0x4  }
.LBB2_1:
0x17: {  	[tilespmem:s4], [sflag:$0x5] =	stream.linear.gather [hbm4b:s6+s4], $0x2710, $0x38;
	[tilespmem:$0x1E820] =	vst v63  }
0x18: {  	_ =	swait.ge [sflag:s14], $0x2710  }
0x19: {  	[sflag:s14] =	ssyncset.done $0x0  }
0x1a: {  	s0 =	rddreg [dreg:$0x4];
	[sflag:s14] =	ssyncadd.s32 $0xFFFFD8F0  }
0x1b: {  	[spmem:s16], [sflag:s15] =	dma.local [hbm:s0], $0x2800  }
0x1c: {  	_ =	swait.ge [sflag:s14], $0x2800  }
0x1d: {  	[sflag:s14] =	ssyncset.done $0x0  }
0x1e: {  	[sflag:s14] =	ssyncadd.s32 $0xFFFFD800  }
0x1f: {  	[bflag:$0x0] =	sbarrier.arrive $0xFFFF  }
0x20: {  	s2 =	rddreg [dreg:$0x5]  }
0x21: {  	[tilespmem:s17], [sflag:$0x3] =	stream.linear.gather [hbm4b:s2+s4], $0x80, $0x38;
	[tilespmem:$0x1E820] =	vst v63  }
0x22: {  	_ = 	snop  }
0x23: {  	[tilespmem:s18], [sflag:$0x1] =	stream.indirect.gather [hbm4b:s1+s20], $0x80, s4, s20, $0xb8;
	[tilespmem:$0x1E820] =	vst v63  }
0x24: {  	s5 =	sadd.s32 $0x0, s12  }
0x25: {  	[tilespmem:s19], [sflag:$0x4] =	stream.linear.gather [hbm4b:s5+s4], $0x80, $0x38;
	[tilespmem:$0x1E820] =	vst v63  }
0x26: {  	_ = 	snop  }
0x27: {  	[tilespmem:s21], [sflag:$0x2] =	stream.indirect.gather [hbm4b:s1+s20], $0x80, s20, s20, $0xb8;
	[tilespmem:$0x1E820] =	vst v63  }
0x28: {  	_ =	swait.ge [sflag:s22], $0x80  }
0x29: {  	[sflag:s22] =	ssyncset.done $0x0  }
0x2a: {  	[sflag:s22] =	ssyncadd.s32 $0xFFFFFF80  }
0x2b: {  	_ =	swait.ge [sflag:s23], $0x4000  }
0x2c: {  	[sflag:s23] =	ssyncset.done $0x0  }
0x2d: {  	[sflag:s23] =	ssyncadd.s32 $0xFFFFC000  }
0x2e: {  	[spmem:s3] =	stream.indirect.scatter.add.f32 [tilespmem:s18], [sflag:$0x5], $0x80, s17, s20, $0xb8;
	[tilespmem:$0x1E820] =	vst v63  }
0x2f: {  	_ =	swait.ge [sflag:s14], $0x4000  }
0x30: {  	[sflag:s14] =	ssyncset.done $0x0  }
0x31: {  	s7 =	sadd.s32 $0x0, s13;
	[sflag:s14] =	ssyncadd.s32 $0xFFFFC000  }
0x32: {  	[tilespmem:s17], [sflag:$0x3] =	stream.linear.gather [hbm4b:s7+s4], $0x80, $0x38;
	[tilespmem:$0x1E820] =	vst v63  }
0x33: {  	s8 =	simm.s32 $0x100  }
0x34: {  	[tilespmem:s18], [sflag:$0x1] =	stream.indirect.gather [hbm4b:s1+s20], $0x80, s8, s20, $0xb8;
	[tilespmem:$0x1E820] =	vst v63  }
0x35: {  	_ =	swait.ge [sflag:s24], $0x80  }
0x36: {  	[sflag:s24] =	ssyncset.done $0x0  }
0x37: {  	[sflag:s24] =	ssyncadd.s32 $0xFFFFFF80  }
0x38: {  	_ =	swait.ge [sflag:s25], $0x4000  }
0x39: {  	[sflag:s25] =	ssyncset.done $0x0  }
0x3a: {  	[sflag:s25] =	ssyncadd.s32 $0xFFFFC000  }
0x3b: {  	[spmem:s3] =	stream.indirect.scatter.add.f32 [tilespmem:s21], [sflag:$0x5], $0x80, s19, s20, $0xb8;
	[tilespmem:$0x1E820] =	vst v63  }
0x3c: {  	s30 =	simm.s32 $0x40;
	_ =	swait.ge [sflag:s14], $0x4000  }
0x3d: {  	s0 =	simm.s32 $0x20;
	s2 =	simm.s32 $0x180;
	[sflag:s14] =	ssyncset.done $0x0  }
.LBB2_2:
0x3e: {  	s5 =	sadd.s32 s0, s12  }
0x3f: {  	[sflag:s14] =	ssyncadd.s32 $0xFFFFC000;
	s7 =	smov.u32 s30;
	s8 =	sadd.s32 $0x20, s30  }
0x40: {  	[tilespmem:s19], [sflag:$0x4] =	stream.linear.gather [hbm4b:s5+s4], $0x80, $0x38;
	[tilespmem:$0x1E820] =	vst v63  }
0x41: {  	p0 =	sne.s32 s30, $0x4A0  }
0x42: {  	[tilespmem:s21], [sflag:$0x2] =	stream.indirect.gather [hbm4b:s1+s20], $0x80, s2, s20, $0xb8;
	[tilespmem:$0x1E820] =	vst v63  }
0x43: {  	_ =	swait.ge [sflag:s22], $0x80  }
0x44: {  	[sflag:s22] =	ssyncset.done $0x0  }
0x45: {  	[sflag:s22] =	ssyncadd.s32 $0xFFFFFF80  }
0x46: {  	_ =	swait.ge [sflag:s23], $0x4000  }
0x47: {  	[sflag:s23] =	ssyncset.done $0x0  }
0x48: {  	[sflag:s23] =	ssyncadd.s32 $0xFFFFC000  }
0x49: {  	[spmem:s3] =	stream.indirect.scatter.add.f32 [tilespmem:s18], [sflag:$0x5], $0x80, s17, s20, $0xb8;
	[tilespmem:$0x1E820] =	vst v63  }
0x4a: {  	_ =	swait.ge [sflag:s14], $0x4000  }
0x4b: {  	[sflag:s14] =	ssyncset.done $0x0  }
0x4c: {  	s5 =	sadd.s32 s0, s13;
	s0 =	smov.u32 s7;
	[sflag:s14] =	ssyncadd.s32 $0xFFFFC000  }
0x4d: {  	[tilespmem:s17], [sflag:$0x3] =	stream.linear.gather [hbm4b:s5+s4], $0x80, $0x38;
	[tilespmem:$0x1E820] =	vst v63  }
0x4e: {  	s5 =	sadd.s32 $0x80, s2  }
0x4f: {  	[tilespmem:s18], [sflag:$0x1] =	stream.indirect.gather [hbm4b:s1+s20], $0x80, s5, s20, $0xb8;
	[tilespmem:$0x1E820] =	vst v63  }
0x50: {  	_ =	swait.ge [sflag:s24], $0x80  }
0x51: {  	[sflag:s24] =	ssyncset.done $0x0  }
0x52: {  	[sflag:s24] =	ssyncadd.s32 $0xFFFFFF80  }
0x53: {  	_ =	swait.ge [sflag:s25], $0x4000  }
.Ltmp0:
0x54: {  	[sflag:s25] =	ssyncset.done $0x0;
	(pc) =	sbr.rel @p0 .LBB2_2-.Ltmp0, $4  }
0x55: {  	[sflag:s25] =	ssyncadd.s32 $0xFFFFC000  }
0x56: {  	[spmem:s3] =	stream.indirect.scatter.add.f32 [tilespmem:s21], [sflag:$0x5], $0x80, s19, s20, $0xb8;
	[tilespmem:$0x1E820] =	vst v63  }
0x57: {  	_ =	swait.ge [sflag:s14], $0x4000  }
0x58: {  	s30 =	smov.u32 s8;
	s2 =	sadd.s32 $0x100, s2;
	[sflag:s14] =	ssyncset.done $0x0  }
0x59: {  	s5 =	sadd.s32 s0, s12;
	[sflag:s14] =	ssyncadd.s32 $0xFFFFC000  }
0x5a: {  	[tilespmem:s19], [sflag:$0x4] =	stream.linear.gather [hbm4b:s5+s4], $0x80, $0x38;
	[tilespmem:$0x1E820] =	vst v63  }
0x5b: {  	_ = 	snop  }
0x5c: {  	[tilespmem:s21], [sflag:$0x2] =	stream.indirect.gather [hbm4b:s1+s20], $0x80, s2, s20, $0xb8;
	[tilespmem:$0x1E820] =	vst v63  }
0x5d: {  	_ =	swait.ge [sflag:s22], $0x80  }
0x5e: {  	[sflag:s22] =	ssyncset.done $0x0  }
0x5f: {  	[sflag:s22] =	ssyncadd.s32 $0xFFFFFF80  }
0x60: {  	_ =	swait.ge [sflag:s23], $0x4000  }
0x61: {  	[sflag:s23] =	ssyncset.done $0x0  }
0x62: {  	[sflag:s23] =	ssyncadd.s32 $0xFFFFC000  }
0x63: {  	[spmem:s3] =	stream.indirect.scatter.add.f32 [tilespmem:s18], [sflag:$0x5], $0x80, s17, s20, $0xb8;
	[tilespmem:$0x1E820] =	vst v63  }
0x64: {  	_ =	swait.ge [sflag:s14], $0x4000  }
0x65: {  	[sflag:s14] =	ssyncset.done $0x0  }
0x66: {  	s5 =	sadd.s32 s0, s13;
	[sflag:s14] =	ssyncadd.s32 $0xFFFFC000  }
0x67: {  	[tilespmem:s17], [sflag:$0x3] =	stream.linear.gather [hbm4b:s5+s4], $0x80, $0x38;
	[tilespmem:$0x1E820] =	vst v63  }
0x68: {  	s7 =	sadd.s32 $0x80, s2  }
0x69: {  	[tilespmem:s18], [sflag:$0x1] =	stream.indirect.gather [hbm4b:s1+s20], $0x80, s7, s20, $0xb8;
	[tilespmem:$0x1E820] =	vst v63  }
0x6a: {  	_ =	swait.ge [sflag:s24], $0x80  }
0x6b: {  	[sflag:s24] =	ssyncset.done $0x0  }
0x6c: {  	[sflag:s24] =	ssyncadd.s32 $0xFFFFFF80  }
0x6d: {  	_ =	swait.ge [sflag:s25], $0x4000  }
0x6e: {  	[sflag:s25] =	ssyncset.done $0x0  }
0x6f: {  	[sflag:s25] =	ssyncadd.s32 $0xFFFFC000  }
0x70: {  	[spmem:s3] =	stream.indirect.scatter.add.f32 [tilespmem:s21], [sflag:$0x5], $0x80, s19, s20, $0xb8;
	[tilespmem:$0x1E820] =	vst v63  }
0x71: {  	_ =	swait.ge [sflag:s14], $0x4000  }
0x72: {  	[sflag:s14] =	ssyncset.done $0x0  }
0x73: {  	[sflag:s14] =	ssyncadd.s32 $0xFFFFC000  }
0x74: {  	[tilespmem:s19], [sflag:$0x4] =	stream.linear.gather [hbm4b:s11+s4], $0x80, $0x38;
	[tilespmem:$0x1E820] =	vst v63  }
0x75: {  	_ = 	snop  }
0x76: {  	[tilespmem:s21], [sflag:$0x2] =	stream.indirect.gather [hbm4b:s1+s20], $0x80, s26, s20, $0xb8;
	[tilespmem:$0x1E820] =	vst v63  }
0x77: {  	_ =	swait.ge [sflag:s22], $0x80  }
0x78: {  	[sflag:s22] =	ssyncset.done $0x0  }
0x79: {  	[sflag:s22] =	ssyncadd.s32 $0xFFFFFF80  }
0x7a: {  	_ =	swait.ge [sflag:s23], $0x4000  }
0x7b: {  	[sflag:s23] =	ssyncset.done $0x0  }
0x7c: {  	[sflag:s23] =	ssyncadd.s32 $0xFFFFC000  }
0x7d: {  	[spmem:s3] =	stream.indirect.scatter.add.f32 [tilespmem:s18], [sflag:$0x5], $0x80, s17, s20, $0xb8;
	[tilespmem:$0x1E820] =	vst v63  }
0x7e: {  	_ =	swait.ge [sflag:s14], $0x4000  }
0x7f: {  	[sflag:s14] =	ssyncset.done $0x0  }
0x80: {  	[sflag:s14] =	ssyncadd.s32 $0xFFFFC000  }
0x81: {  	[tilespmem:s17], [sflag:$0x3] =	stream.linear.gather [hbm4b:s11+s4], $0x80, $0x38;
	[tilespmem:$0x1E820] =	vst v63  }
0x82: {  	_ = 	snop  }
0x83: {  	[tilespmem:s18], [sflag:$0x1] =	stream.indirect.gather [hbm4b:s1+s20], $0x80, s26, s20, $0xb8;
	[tilespmem:$0x1E820] =	vst v63  }
0x84: {  	_ =	swait.ge [sflag:s24], $0x80  }
0x85: {  	[sflag:s24] =	ssyncset.done $0x0  }
0x86: {  	[sflag:s24] =	ssyncadd.s32 $0xFFFFFF80  }
0x87: {  	_ =	swait.ge [sflag:s25], $0x4000  }
0x88: {  	[sflag:s25] =	ssyncset.done $0x0  }
0x89: {  	[sflag:s25] =	ssyncadd.s32 $0xFFFFC000  }
0x8a: {  	[spmem:s3] =	stream.indirect.scatter.add.f32 [tilespmem:s21], [sflag:$0x5], $0x80, s19, s20, $0xb8;
	[tilespmem:$0x1E820] =	vst v63  }
0x8b: {  	_ =	swait.ge [sflag:s14], $0x4000  }
0x8c: {  	[sflag:s14] =	ssyncset.done $0x0  }
0x8d: {  	[sflag:s14] =	ssyncadd.s32 $0xFFFFC000  }
0x8e: {  	_ =	swait.ge [sflag:s22], $0x80  }
0x8f: {  	[sflag:s22] =	ssyncset.done $0x0  }
0x90: {  	[sflag:s22] =	ssyncadd.s32 $0xFFFFFF80  }
0x91: {  	_ =	swait.ge [sflag:s23], $0x4000  }
0x92: {  	[sflag:s23] =	ssyncset.done $0x0  }
0x93: {  	s8 =	rddreg [dreg:$0x6];
	[sflag:s23] =	ssyncadd.s32 $0xFFFFC000  }
0x94: {  	[tilespmem:s28], [sflag:$0x5] =	stream.linear.gather [hbm4b:s8+s4], $0x10, $0x38;
	[tilespmem:$0x1E820] =	vst v63  }
0x95: {  	_ =	swait.ge [sflag:s14], $0x10  }
0x96: {  	[sflag:s14] =	ssyncset.done $0x0  }
0x97: {  	s30 =	simm.s32 $0x2700;
	[sflag:s14] =	ssyncadd.s32 $0xFFFFFFF0  }
0x98: {  	[tilespmem:s18], [sflag:$0x5] =	stream.indirect.gather [hbm4b:s1+s29], $0x80, s30, s29, $0xb8;
	[tilespmem:$0x1E820] =	vst v63  }
0x99: {  	_ =	swait.ge [sflag:s14], $0x800  }
0x9a: {  	[sflag:s14] =	ssyncset.done $0x0  }
0x9b: {  	[sflag:s14] =	ssyncadd.s32 $0xFFFFF800  }
0x9c: {  	[spmem:s3] =	stream.indirect.scatter.add.f32 [tilespmem:s18], [sflag:$0x5], $0x80, s28, s29, $0xb8;
	[tilespmem:$0x1E820] =	vst v63  }
0x9d: {  	_ =	swait.ge [sflag:s14], $0x800  }
0x9e: {  	s31 =	sadd.s32 $0x1, s31;
	[sflag:s14] =	ssyncset.done $0x0  }
0x9f: {  	p0 =	sne.s32 s31, s10;
	[sflag:s14] =	ssyncadd.s32 $0xFFFFF800  }
.Ltmp1:
0xa0: {  	[bflag:$0x0] =	sbarrier.arrive $0xFFFF;
	(pc) =	sbr.rel @p0 .LBB2_1-.Ltmp1, $4  }
0xa1: {  	[hbm:s9], [sflag:s15] =	dma.local [spmem:s16], $0x2800  }
0xa2: {  	_ =	swait.ge [sflag:s14], $0x2800  }
0xa3: {  	[sflag:s14] =	ssyncset.done $0x0  }
0xa4: {  	[sflag:s14] =	ssyncadd.s32 $0xFFFFD800  }
0xa5: {  	_ =	sfence.sel $0x180000  }
0xa6: {  	[bflag:$0x0] =	sbarrier.arrive $0xFFFF  }
0xa7: {  	_ =	strace $0x9000004A  }
0xa8: {  	s0 =	stileid.u32;
	[bflag:$0x2] =	sbarrier.arrive $0xFFFF  }
0xa9: {  	p0 =	sne.s32 s0, $0x0;
	s0 =	rddreg [dreg:$0x3]  }
0xaa: {  	s0 =	sadd.s32 @!p0 $0x100000, s0  }
0xab: {  	[sflag:s0] =	ssyncadd.tile.s32 @!p0 $0x1;
	_ =	shalt  }
.Lfunc_end2:
_tile_overlayer_lowered:
.L_overlay_start_2:
0xac: {  	(tag) =	ssettag $0x2  }
0xad: {  	s0 =	rddreg [dreg:$0x0];
	s2 =	stileid.u32  }
0xae: {  	s1 =	rddreg [dreg:$0x1];
	p0 =	sne.s32 s2, $0x0  }
0xaf: {  	s3 =	rddreg [dreg:$0x2];
	[bflag:$0x3] =	sbarrier.arrive $0xFFFF;
	s2 =	simm.s32 @!p0 $0x1C05  }
0xb0: {  	[timem:s3], [sflag:s2] =	dma.local @!p0 [hbm:s0], s1  }
0xb1: {  	s0 =	simm.s32 @!p0 $0x5  }
0xb2: {  	_ =	swait.ge @!p0 [sflag:s0], s1  }
0xb3: {  	s1 =	ssub.s32 @!p0 $0x0, s1;
	[sflag:s0] =	ssyncset.done @!p0 $0x0  }
0xb4: {  	[sflag:s0] =	ssyncadd.s32 @!p0 s1  }
0xb5: {  	[bflag:$0x3] =	sbarrier.arrive $0xFFFF  }
0xb6: {  	_ =	shalt  }

// kernel: kernel.15.cloned.1.call-start
scs
__scs_entry_jumppad:
0x0: {  	(pc) =	sbr.rel $0x88, $3  }
0x1: {  	(tag) =	ssettag $0x0;
	lr =	simm.s32 $0x1  }
0x2: {  	[smem:$0x3F9B] =	sst lr;
	_ =	strace $0xD0000000  }
0x3: {  	_ = 	snop  }
0x4: {  	_ = 	snop  }
0x5: {  	_ = 	snop  }
0x6: {  	_ = 	snop  }
0x7: {  	_ = 	snop  }
__scs_overlays_trampoline_lowered:
0x8: {  	[smem:$0x3FAA] =	sst s0  }
0x9: {  	[smem:$0x3FAB] =	sst s1  }
0xa: {  	[smem:$0x3FAC] =	sst s2  }
0xb: {  	[smem:$0x3FAD] =	sst s3  }
0xc: {  	[smem:$0x3FAE] =	sst s4  }
0xd: {  	[smem:$0x3FAF] =	sst s5  }
0xe: {  	[smem:$0x3FB0] =	sst s6  }
0xf: {  	[smem:$0x3FB1] =	sst s7  }
0x10: {  	[smem:$0x3FB2] =	sst s8  }
0x11: {  	[smem:$0x3FB3] =	sst s9;
	s0 =	simm.s32 @!p0 $0x0  }
0x12: {  	s1 =	sld [smem:$0x3F99];
	s0 =	simm.s32 @p0 $0x1  }
0x13: {  	[smem:$0x3FB4] =	sst s0;
	s0 =	simm.s32 @!p1 $0x0  }
0x14: {  	s2 =	sld [smem:$0x3F98];
	s0 =	simm.s32 @p1 $0x1  }
0x15: {  	[smem:$0x3FB5] =	sst s0;
	s0 =	simm.s32 @!p2 $0x0  }
0x16: {  	s3 =	sld [smem:$0x3FDB];
	s0 =	simm.s32 @p2 $0x1  }
0x17: {  	s4 =	simm.s32 $0x1BF5;
	[smem:$0x3FB7] =	sst s0  }
0x18: {  	s0 =	sld [smem:$0x3F9A];
	_ =	swait.ge [sflag:s4], $0x0  }
0x19: {  	s7 =	sld [smem:$0x3F9B]  }
0x1a: {  	s8 =	sadd.s32 $0xFFFFE003, lr  }
0x1b: {  	s9 =	sadd.s32 $0xFFFFFEF7, lr;
	s5 =	simm.s32 $0xFFFFFFFF;
	p2 =	slt.u32 s8, $0xFFFFF086  }
0x1c: {  	p1 =	slt.u32 s9, $0xF7A;
	s5 =	simm.s32 @!p2 $0x0  }
0x1d: {  	s5 =	simm.s32 @p1 $0x1;
	p0 =	seq.s32 s7, s2  }
0x1e: {  	s7 =	smul.u32 @!p0 $0xF7A, s2;
	p2 =	seq.s32 @!p0 s5, $0x0  }
0x1f: {  	s9 =	smul.u32 $0xF7A, s1;
	s8 =	simm.s32 @!p0 $0x1BF5;
	p2 =	por !p2, p0  }
0x20: {  	[sflag:s8] =	ssyncset.s32 @!p0 $0xFFFFF086;
	s6 =	sadd.s32 @!p0 s3, s7;
	s7 =	simm.s32 @!p0 $0x108  }
0x21: {  	s3 =	sadd.s32 s3, s9;
	s6 =	sadd.s32 @!p0 $0x88, s6;
	s7 =	simm.s32 @p2 $0x1082  }
0x22: {  	[simem:s7], [sflag:s8] =	dma.local @!p0 [hbm:s6], $0xF7A  }
0x23: {  	s9 =	sor.u32 $0xD0000000, s2;
	s6 =	simm.s32 $0x108;
	_ =	swait.ge @!p0 [sflag:s8], $0x0  }
0x24: {  	s3 =	sadd.s32 $0x88, s3;
	s6 =	simm.s32 @!p1 $0x1082;
	[sflag:s4] =	ssyncset.s32 $0xFFFFF086  }
0x25: {  	[simem:s6], [sflag:s4] =	dma.local [hbm:s3], $0xF7A  }
0x26: {  	[smem:$0x3F9B] =	sst s1;
	(tag) =	ssettag s2;
	_ =	strace s9  }
0x27: {  	s1 =	sld [smem:$0x3FAB]  }
0x28: {  	s2 =	sld [smem:$0x3FAC]  }
0x29: {  	s4 =	sld [smem:$0x3FAE]  }
0x2a: {  	p0 =	seq.s32 s5, $0x0;
	s5 =	sld [smem:$0x3FAF]  }
0x2b: {  	s6 =	sld [smem:$0x3FB0]  }
0x2c: {  	s7 =	sld [smem:$0x3FB1]  }
0x2d: {  	s3 =	simm.s32 $0x108;
	s8 =	sld [smem:$0x3FB2]  }
0x2e: {  	s3 =	simm.s32 @!p0 $0x1082;
	s9 =	sld [smem:$0x3FB3]  }
0x2f: {  	lr =	sadd.s32 s0, s3;
	s0 =	sld [smem:$0x3FAA]  }
0x30: {  	s3 =	sld [smem:$0x3FAD]  }
0x31: {  	[smem:$0x3FB6] =	sst s10  }
0x32: {  	s10 =	sld [smem:$0x3FB4];
	_ =	sdelay $0x3  }
0x33: {  	p0 =	seq.s32 s10, $0x1;
	s10 =	sld [smem:$0x3FB6];
	_ =	sdelay $0x3  }
0x34: {  	[smem:$0x3FB6] =	sst s10  }
0x35: {  	s10 =	sld [smem:$0x3FB5];
	_ =	sdelay $0x3  }
0x36: {  	p1 =	seq.s32 s10, $0x1;
	s10 =	sld [smem:$0x3FB6];
	_ =	sdelay $0x3  }
0x37: {  	[smem:$0x3FB6] =	sst s10  }
0x38: {  	s10 =	sld [smem:$0x3FB7]  }
0x39: {  	_ = 	snop;
	(pc) =	sbr.ind lr, $3  }
0x3a: {  	_ = 	snop  }
0x3b: {  	_ = 	snop  }
0x3c: {  	p2 =	seq.s32 s10, $0x1;
	s10 =	sld [smem:$0x3FB6]  }
0x3d: {  	_ =	shalt  }
0x3e: {  	_ =	shalt  }
0x3f: {  	_ =	shalt  }
0x40: {  	_ =	shalt  }
0x41: {  	_ =	shalt  }
0x42: {  	_ =	shalt  }
0x43: {  	_ =	shalt  }
0x44: {  	_ =	shalt  }
0x45: {  	_ =	shalt  }
0x46: {  	_ =	shalt  }
0x47: {  	_ =	shalt  }
0x48: {  	_ =	shalt  }
0x49: {  	_ =	shalt  }
0x4a: {  	_ =	shalt  }
0x4b: {  	_ =	shalt  }
0x4c: {  	_ =	shalt  }
0x4d: {  	_ =	shalt  }
0x4e: {  	_ =	shalt  }
0x4f: {  	_ =	shalt  }
0x50: {  	_ =	shalt  }
0x51: {  	_ =	shalt  }
0x52: {  	_ =	shalt  }
0x53: {  	_ =	shalt  }
0x54: {  	_ =	shalt  }
0x55: {  	_ =	shalt  }
0x56: {  	_ =	shalt  }
0x57: {  	_ =	shalt  }
0x58: {  	_ =	shalt  }
0x59: {  	_ =	shalt  }
0x5a: {  	_ =	shalt  }
0x5b: {  	_ =	shalt  }
0x5c: {  	_ =	shalt  }
0x5d: {  	_ =	shalt  }
0x5e: {  	_ =	shalt  }
0x5f: {  	_ =	shalt  }
0x60: {  	_ =	shalt  }
0x61: {  	_ =	shalt  }
0x62: {  	_ =	shalt  }
0x63: {  	_ =	shalt  }
0x64: {  	_ =	shalt  }
0x65: {  	_ =	shalt  }
0x66: {  	_ =	shalt  }
0x67: {  	_ =	shalt  }
0x68: {  	_ =	shalt  }
0x69: {  	_ =	shalt  }
0x6a: {  	_ =	shalt  }
0x6b: {  	_ =	shalt  }
0x6c: {  	_ =	shalt  }
0x6d: {  	_ =	shalt  }
0x6e: {  	_ =	shalt  }
0x6f: {  	_ =	shalt  }
0x70: {  	_ =	shalt  }
0x71: {  	_ =	shalt  }
0x72: {  	_ =	shalt  }
0x73: {  	_ =	shalt  }
0x74: {  	_ =	shalt  }
0x75: {  	_ =	shalt  }
0x76: {  	_ =	shalt  }
0x77: {  	_ =	shalt  }
0x78: {  	_ =	shalt  }
0x79: {  	_ =	shalt  }
0x7a: {  	_ =	shalt  }
0x7b: {  	_ =	shalt  }
0x7c: {  	_ =	shalt  }
0x7d: {  	_ =	shalt  }
0x7e: {  	_ =	shalt  }
0x7f: {  	_ =	shalt  }
0x80: {  	_ =	shalt  }
0x81: {  	_ =	shalt  }
0x82: {  	_ =	shalt  }
0x83: {  	_ =	shalt  }
0x84: {  	_ =	shalt  }
0x85: {  	_ =	shalt  }
0x86: {  	_ =	shalt  }
0x87: {  	_ =	shalt  }
.Lfunc_end0:
.L_simem_size_0:
called_computation.2_lowered:
.L_overlay_start_0:
0x88: {  	s2 =	sld [smem:$0x3FD9]  }
0x89: {  	s3 =	sld [smem:$0x3FFE];
	_ =	sdelay $0x1  }
0x8a: {  	s1 =	srdreg.scid  }
0x8b: {  	s0 =	sand.u32 $0x1, s1  }
0x8c: {  	s17 =	sshll.u32 s0, $0xA;
	s2 =	sadd.s32 s3, s2  }
0x8d: {  	s2 =	sadd.s32 s2, s17  }
0x8e: {  	[smem:$0x3FC2] =	sst s2  }
0x8f: {  	_ = 	snop  }
0x90: {  	s2 =	sld [smem:$0x3FD0];
	(tm) =	ssettm $0x1  }
0x91: {  	s18 =	sld [smem:$0x3FFB];
	_ =	sdelay $0x3  }
0x92: {  	_ =	strace s18  }
0x93: {  	s3 =	sld [smem:$0x3FFC];
	_ =	sdelay $0x3  }
0x94: {  	_ =	strace s3  }
0x95: {  	s3 =	sld [smem:$0x3FFD];
	_ =	sdelay $0x3  }
0x96: {  	_ =	strace s3  }
0x97: {  	_ =	strace $0x8FFFFFFF  }
0x98: {  	s19 =	sld [smem:$0x3FDB];
	_ =	sdelay $0x1  }
0x99: {  	s4 =	simm.s32 $_scs_section_size  }
0x9a: {  	s5 =	simm.s32 $_size__tile_overlayer_lowered;
	s6 =	simm.s32 $_tile_overlayer_lowered  }
0x9b: {  	s22 =	simm.s32 $0x1BFF;
	s21 =	sshll.u32 s6, $0x1;
	s3 =	sadd.s32 s4, s19  }
0x9c: {  	s7 =	simm.s32 $0x0;
	s20 =	sshll.u32 s5, $0x1;
	s5 =	sadd.s32 s21, s3  }
0x9d: {  	[timem:s7], [sflag:s22] =	dma.local [hbm:s5], s20  }
0x9e: {  	_ =	swait.ge [sflag:s22], s20  }
0x9f: {  	s4 =	ssub.s32 $0x0, s20;
	[sflag:s22] =	ssyncset.done $0x0  }
0xa0: {  	[sflag:s22] =	ssyncadd.s32 s4;
	_ =	sdelay $0x1  }
0xa1: {  	s23 =	simm.s32 $0x1B8B  }
0xa2: {  	_ =	swait.ge [sflag:s23], $0x1  }
0xa3: {  	[sflag:s23] =	ssyncset.done $0x0  }
0xa4: {  	s25 =	simm.s32 $0x1B8E;
	s24 =	sld [smem:$0x3FFE];
	[sflag:s23] =	ssyncadd.s32 $0xFFFFFFFF  }
0xa5: {  	s26 =	simm.s32 $execute0_lowered;
	[smem:$0x3FD2] =	sst s25  }
0xa6: {  	s5 =	sshll.u32 s26, $0x1;
	_ =	strace $0x8000004C;
	[dreg:$0x1] =	wrdreg $0xFFFFFFFF  }
0xa7: {  	s28 =	simm.s32 $_size_execute0_lowered;
	s3 =	sadd.s32 s3, s5;
	[dreg:$0x0] =	wrdreg $0x0  }
0xa8: {  	s5 =	sshll.u32 s28, $0x1;
	[dreg:$0x2] =	wrdreg s3  }
0xa9: {  	[dreg:$0x3] =	wrdreg s5  }
0xaa: {  	[dreg:$0x4] =	wrdreg $0xC0  }
0xab: {  	_ =	task [dreg:s7], $0x5FFFF  }
0xac: {  	[dreg:$0x1] =	wrdreg $0xFFFFFFFF  }
0xad: {  	[dreg:$0x0] =	wrdreg $0x60  }
0xae: {  	[dreg:$0x2] =	wrdreg s2  }
0xaf: {  	[dreg:$0x3] =	wrdreg s24  }
0xb0: {  	[dreg:$0x4] =	wrdreg $0xA8200  }
0xb1: {  	[dreg:$0x5] =	wrdreg $0x9  }
0xb2: {  	_ =	task.clear_ibuf [dreg:s7], $0x6FFFF;
	_ =	strace $0x9000004C  }
0xb3: {  	s29 =	simm.s32 $0x9;
	_ =	strace $0x8000004E  }
0xb4: {  	_ =	swait.ge [sflag:s29], $0x1  }
0xb5: {  	[sflag:s29] =	ssyncadd.s32 $0xFFFFFFFF  }
0xb6: {  	_ =	strace $0x9000004E  }
0xb7: {  	_ =	sfence  }
0xb8: {  	s30 =	sld [smem:$0x0];
	_ =	sdelay $0x2  }
0xb9: {  	s31 =	sshll.u32 s1, $0xD;
	s1 =	sshrl.u32 s1, $0x2  }
0xba: {  	s3 =	sand.u32 $0x4000, s31;
	s1 =	sadd.s32 s1, s30  }
0xbb: {  	s0 =	sor.u32 s3, s0;
	s1 =	sshll.u32 s1, $0x11  }
0xbc: {  	s0 =	sor.u32 s1, s0  }
0xbd: {  	s0 =	sadd.s32 $0x8F2B, s0  }
0xbe: {  	[sflag:s0] =	ssyncadd.remote.s32 $0x1  }
0xbf: {  	_ =	sfence.sel $0xFFFF  }
0xc0: {  	[dreg:$0x0] =	wrdreg $0xFFFFFFFF;
	(pc) =	sbr.abs _section_cstart, $3  }
0xc1: {  	[dreg:$0x1] =	wrdreg $0xFFFFFFFF  }
0xc2: {  	_ =	task.clear_ibuf [dreg:s7], $0x2FFFF;
	_ =	strace $0x9FFFFFFF  }
0xc3: {  	(tm) =	ssettm $0x7FFFFFFF  }
tec
execute0_lowered:
.L_overlay_start_1:
0x0: {  	(tag) =	ssettag $0x1  }
0x1: {  	s1 =	rddreg [dreg:$0x0]  }
0x2: {  	s0 =	rddreg [dreg:$0x1]  }
0x3: {  	s3 =	rddreg [dreg:$0x2]  }
0x4: {  	s2 =	srdreg.scid;
	s14 =	stileid.u32  }
0x5: {  	s4 =	simm.s32 $0x0;
	s17 =	simm.s32 $0x2710;
	s18 =	simm.s32 $0x2820  }
0x6: {  	s19 =	simm.s32 $0x2790;
	s20 =	simm.s32 $0x80;
	s28 =	simm.s32 $0x2810  }
0x7: {  	s29 =	simm.s32 $0x10;
	s31 =	simm.s32 $0x0;
	s2 =	sand.u32 $0x1, s2  }
0x8: {  	s7 =	smul.u32 $0x14000, s14;
	[smem:$0x7FF] =	sst s4;
	s13 =	sadd.s32 $0x2A00, s0  }
0x9: {  	s21 =	sadd.s32 $0x16400, s0;
	s10 =	smul.u32 $0x2710, s14;
	s30 =	sshll.u32 s14, $0x6  }
0xa: {  	s5 =	smul.u32 $0x140000, s2;
	_ =	strace $0x8000004D;
	s6 =	sshll.u32 s2, $0x4  }
0xb: {  	[dreg:$0x4] =	wrdreg s21;
	s22 =	ssub.s32 $0x2, s2;
	s2 =	smul.u32 $0x27100, s2  }
0xc: {  	s15 =	sor.u32 $0x1C05, s30;
	s21 =	simm.s32 $0x6820;
	s6 =	sor.u32 s14, s6  }
0xd: {  	s9 =	sshrl.u32 s22, $0x1;
	s16 =	sadd.s32 s7, s3;
	s14 =	simm.s32 $0x5  }
0xe: {  	s8 =	sadd.s32 s7, s5;
	s6 =	smul.u32 $0x2710, s6;
	s11 =	ssub.s32 s22, s9  }
0xf: {  	s2 =	sadd.s32 s10, s2;
	s16 =	sshrl.u32 s16, $0x3;
	s22 =	simm.s32 $0x3  }
0x10: {  	s8 =	sshrl.u32 s8, $0x3;
	s10 =	smax.u32 s11, $0x1;
	s25 =	sadd.s32 $0x4E280, s2  }
0x11: {  	s2 =	sadd.s32 $0x4E300, s2;
	s0 =	sadd.s32 s8, s0;
	s6 =	sshrl.u32 s6, $0x3  }
0x12: {  	s26 =	sshrl.u32 s2, $0x3;
	s6 =	sadd.s32 s13, s6;
	s9 =	sadd.s32 $0x18C00, s0  }
0x13: {  	s0 =	sshrl.u32 s25, $0x3;
	s25 =	simm.s32 $0x2;
	s23 =	sadd.s32 $0x9C40, s6  }
0x14: {  	s24 =	sadd.s32 $0xA120, s6;
	s11 =	sadd.s32 $0xA110, s6;
	s12 =	sadd.s32 s0, s13  }
0x15: {  	s13 =	sadd.s32 s26, s13;
	s26 =	simm.s32 $0x2680;
	[dreg:$0x5] =	wrdreg s23  }
0x16: {  	[dreg:$0x6] =	wrdreg s24;
	s23 =	simm.s32 $0x1;
	s24 =	simm.s32 $0x4  }
.LBB2_1:
0x17: {  	[tilespmem:s4], [sflag:$0x5] =	stream.linear.gather [hbm4b:s6+s4], $0x2710, $0x38;
	[tilespmem:$0x1E820] =	vst v63  }
0x18: {  	_ =	swait.ge [sflag:s14], $0x2710  }
0x19: {  	[sflag:s14] =	ssyncset.done $0x0  }
0x1a: {  	s0 =	rddreg [dreg:$0x4];
	[sflag:s14] =	ssyncadd.s32 $0xFFFFD8F0  }
0x1b: {  	[spmem:s16], [sflag:s15] =	dma.local [hbm:s0], $0x2800  }
0x1c: {  	_ =	swait.ge [sflag:s14], $0x2800  }
0x1d: {  	[sflag:s14] =	ssyncset.done $0x0  }
0x1e: {  	[sflag:s14] =	ssyncadd.s32 $0xFFFFD800  }
0x1f: {  	[bflag:$0x0] =	sbarrier.arrive $0xFFFF  }
0x20: {  	s2 =	rddreg [dreg:$0x5]  }
0x21: {  	[tilespmem:s17], [sflag:$0x3] =	stream.linear.gather [hbm4b:s2+s4], $0x80, $0x38;
	[tilespmem:$0x1E820] =	vst v63  }
0x22: {  	_ = 	snop  }
0x23: {  	[tilespmem:s18], [sflag:$0x1] =	stream.indirect.gather [hbm4b:s1+s20], $0x80, s4, s20, $0xb8;
	[tilespmem:$0x1E820] =	vst v63  }
0x24: {  	s5 =	sadd.s32 $0x0, s12  }
0x25: {  	[tilespmem:s19], [sflag:$0x4] =	stream.linear.gather [hbm4b:s5+s4], $0x80, $0x38;
	[tilespmem:$0x1E820] =	vst v63  }
0x26: {  	_ = 	snop  }
0x27: {  	[tilespmem:s21], [sflag:$0x2] =	stream.indirect.gather [hbm4b:s1+s20], $0x80, s20, s20, $0xb8;
	[tilespmem:$0x1E820] =	vst v63  }
0x28: {  	_ =	swait.ge [sflag:s22], $0x80  }
0x29: {  	[sflag:s22] =	ssyncset.done $0x0  }
0x2a: {  	[sflag:s22] =	ssyncadd.s32 $0xFFFFFF80  }
0x2b: {  	_ =	swait.ge [sflag:s23], $0x4000  }
0x2c: {  	[sflag:s23] =	ssyncset.done $0x0  }
0x2d: {  	[sflag:s23] =	ssyncadd.s32 $0xFFFFC000  }
0x2e: {  	[spmem:s3] =	stream.indirect.scatter.add.f32 [tilespmem:s18], [sflag:$0x5], $0x80, s17, s20, $0xb8;
	[tilespmem:$0x1E820] =	vst v63  }
0x2f: {  	_ =	swait.ge [sflag:s14], $0x4000  }
0x30: {  	[sflag:s14] =	ssyncset.done $0x0  }
0x31: {  	s7 =	sadd.s32 $0x0, s13;
	[sflag:s14] =	ssyncadd.s32 $0xFFFFC000  }
0x32: {  	[tilespmem:s17], [sflag:$0x3] =	stream.linear.gather [hbm4b:s7+s4], $0x80, $0x38;
	[tilespmem:$0x1E820] =	vst v63  }
0x33: {  	s8 =	simm.s32 $0x100  }
0x34: {  	[tilespmem:s18], [sflag:$0x1] =	stream.indirect.gather [hbm4b:s1+s20], $0x80, s8, s20, $0xb8;
	[tilespmem:$0x1E820] =	vst v63  }
0x35: {  	_ =	swait.ge [sflag:s24], $0x80  }
0x36: {  	[sflag:s24] =	ssyncset.done $0x0  }
0x37: {  	[sflag:s24] =	ssyncadd.s32 $0xFFFFFF80  }
0x38: {  	_ =	swait.ge [sflag:s25], $0x4000  }
0x39: {  	[sflag:s25] =	ssyncset.done $0x0  }
0x3a: {  	[sflag:s25] =	ssyncadd.s32 $0xFFFFC000  }
0x3b: {  	[spmem:s3] =	stream.indirect.scatter.add.f32 [tilespmem:s21], [sflag:$0x5], $0x80, s19, s20, $0xb8;
	[tilespmem:$0x1E820] =	vst v63  }
0x3c: {  	s30 =	simm.s32 $0x40;
	_ =	swait.ge [sflag:s14], $0x4000  }
0x3d: {  	s0 =	simm.s32 $0x20;
	s2 =	simm.s32 $0x180;
	[sflag:s14] =	ssyncset.done $0x0  }
.LBB2_2:
0x3e: {  	s5 =	sadd.s32 s0, s12  }
0x3f: {  	[sflag:s14] =	ssyncadd.s32 $0xFFFFC000;
	s7 =	smov.u32 s30;
	s8 =	sadd.s32 $0x20, s30  }
0x40: {  	[tilespmem:s19], [sflag:$0x4] =	stream.linear.gather [hbm4b:s5+s4], $0x80, $0x38;
	[tilespmem:$0x1E820] =	vst v63  }
0x41: {  	p0 =	sne.s32 s30, $0x4A0  }
0x42: {  	[tilespmem:s21], [sflag:$0x2] =	stream.indirect.gather [hbm4b:s1+s20], $0x80, s2, s20, $0xb8;
	[tilespmem:$0x1E820] =	vst v63  }
0x43: {  	_ =	swait.ge [sflag:s22], $0x80  }
0x44: {  	[sflag:s22] =	ssyncset.done $0x0  }
0x45: {  	[sflag:s22] =	ssyncadd.s32 $0xFFFFFF80  }
0x46: {  	_ =	swait.ge [sflag:s23], $0x4000  }
0x47: {  	[sflag:s23] =	ssyncset.done $0x0  }
0x48: {  	[sflag:s23] =	ssyncadd.s32 $0xFFFFC000  }
0x49: {  	[spmem:s3] =	stream.indirect.scatter.add.f32 [tilespmem:s18], [sflag:$0x5], $0x80, s17, s20, $0xb8;
	[tilespmem:$0x1E820] =	vst v63  }
0x4a: {  	_ =	swait.ge [sflag:s14], $0x4000  }
0x4b: {  	[sflag:s14] =	ssyncset.done $0x0  }
0x4c: {  	s5 =	sadd.s32 s0, s13;
	s0 =	smov.u32 s7;
	[sflag:s14] =	ssyncadd.s32 $0xFFFFC000  }
0x4d: {  	[tilespmem:s17], [sflag:$0x3] =	stream.linear.gather [hbm4b:s5+s4], $0x80, $0x38;
	[tilespmem:$0x1E820] =	vst v63  }
0x4e: {  	s5 =	sadd.s32 $0x80, s2  }
0x4f: {  	[tilespmem:s18], [sflag:$0x1] =	stream.indirect.gather [hbm4b:s1+s20], $0x80, s5, s20, $0xb8;
	[tilespmem:$0x1E820] =	vst v63  }
0x50: {  	_ =	swait.ge [sflag:s24], $0x80  }
0x51: {  	[sflag:s24] =	ssyncset.done $0x0  }
0x52: {  	[sflag:s24] =	ssyncadd.s32 $0xFFFFFF80  }
0x53: {  	_ =	swait.ge [sflag:s25], $0x4000  }
.Ltmp0:
0x54: {  	[sflag:s25] =	ssyncset.done $0x0;
	(pc) =	sbr.rel @p0 .LBB2_2-.Ltmp0, $4  }
0x55: {  	[sflag:s25] =	ssyncadd.s32 $0xFFFFC000  }
0x56: {  	[spmem:s3] =	stream.indirect.scatter.add.f32 [tilespmem:s21], [sflag:$0x5], $0x80, s19, s20, $0xb8;
	[tilespmem:$0x1E820] =	vst v63  }
0x57: {  	_ =	swait.ge [sflag:s14], $0x4000  }
0x58: {  	s30 =	smov.u32 s8;
	s2 =	sadd.s32 $0x100, s2;
	[sflag:s14] =	ssyncset.done $0x0  }
0x59: {  	s5 =	sadd.s32 s0, s12;
	[sflag:s14] =	ssyncadd.s32 $0xFFFFC000  }
0x5a: {  	[tilespmem:s19], [sflag:$0x4] =	stream.linear.gather [hbm4b:s5+s4], $0x80, $0x38;
	[tilespmem:$0x1E820] =	vst v63  }
0x5b: {  	_ = 	snop  }
0x5c: {  	[tilespmem:s21], [sflag:$0x2] =	stream.indirect.gather [hbm4b:s1+s20], $0x80, s2, s20, $0xb8;
	[tilespmem:$0x1E820] =	vst v63  }
0x5d: {  	_ =	swait.ge [sflag:s22], $0x80  }
0x5e: {  	[sflag:s22] =	ssyncset.done $0x0  }
0x5f: {  	[sflag:s22] =	ssyncadd.s32 $0xFFFFFF80  }
0x60: {  	_ =	swait.ge [sflag:s23], $0x4000  }
0x61: {  	[sflag:s23] =	ssyncset.done $0x0  }
0x62: {  	[sflag:s23] =	ssyncadd.s32 $0xFFFFC000  }
0x63: {  	[spmem:s3] =	stream.indirect.scatter.add.f32 [tilespmem:s18], [sflag:$0x5], $0x80, s17, s20, $0xb8;
	[tilespmem:$0x1E820] =	vst v63  }
0x64: {  	_ =	swait.ge [sflag:s14], $0x4000  }
0x65: {  	[sflag:s14] =	ssyncset.done $0x0  }
0x66: {  	s5 =	sadd.s32 s0, s13;
	[sflag:s14] =	ssyncadd.s32 $0xFFFFC000  }
0x67: {  	[tilespmem:s17], [sflag:$0x3] =	stream.linear.gather [hbm4b:s5+s4], $0x80, $0x38;
	[tilespmem:$0x1E820] =	vst v63  }
0x68: {  	s7 =	sadd.s32 $0x80, s2  }
0x69: {  	[tilespmem:s18], [sflag:$0x1] =	stream.indirect.gather [hbm4b:s1+s20], $0x80, s7, s20, $0xb8;
	[tilespmem:$0x1E820] =	vst v63  }
0x6a: {  	_ =	swait.ge [sflag:s24], $0x80  }
0x6b: {  	[sflag:s24] =	ssyncset.done $0x0  }
0x6c: {  	[sflag:s24] =	ssyncadd.s32 $0xFFFFFF80  }
0x6d: {  	_ =	swait.ge [sflag:s25], $0x4000  }
0x6e: {  	[sflag:s25] =	ssyncset.done $0x0  }
0x6f: {  	[sflag:s25] =	ssyncadd.s32 $0xFFFFC000  }
0x70: {  	[spmem:s3] =	stream.indirect.scatter.add.f32 [tilespmem:s21], [sflag:$0x5], $0x80, s19, s20, $0xb8;
	[tilespmem:$0x1E820] =	vst v63  }
0x71: {  	_ =	swait.ge [sflag:s14], $0x4000  }
0x72: {  	[sflag:s14] =	ssyncset.done $0x0  }
0x73: {  	[sflag:s14] =	ssyncadd.s32 $0xFFFFC000  }
0x74: {  	[tilespmem:s19], [sflag:$0x4] =	stream.linear.gather [hbm4b:s11+s4], $0x80, $0x38;
	[tilespmem:$0x1E820] =	vst v63  }
0x75: {  	_ = 	snop  }
0x76: {  	[tilespmem:s21], [sflag:$0x2] =	stream.indirect.gather [hbm4b:s1+s20], $0x80, s26, s20, $0xb8;
	[tilespmem:$0x1E820] =	vst v63  }
0x77: {  	_ =	swait.ge [sflag:s22], $0x80  }
0x78: {  	[sflag:s22] =	ssyncset.done $0x0  }
0x79: {  	[sflag:s22] =	ssyncadd.s32 $0xFFFFFF80  }
0x7a: {  	_ =	swait.ge [sflag:s23], $0x4000  }
0x7b: {  	[sflag:s23] =	ssyncset.done $0x0  }
0x7c: {  	[sflag:s23] =	ssyncadd.s32 $0xFFFFC000  }
0x7d: {  	[spmem:s3] =	stream.indirect.scatter.add.f32 [tilespmem:s18], [sflag:$0x5], $0x80, s17, s20, $0xb8;
	[tilespmem:$0x1E820] =	vst v63  }
0x7e: {  	_ =	swait.ge [sflag:s14], $0x4000  }
0x7f: {  	[sflag:s14] =	ssyncset.done $0x0  }
0x80: {  	[sflag:s14] =	ssyncadd.s32 $0xFFFFC000  }
0x81: {  	[tilespmem:s17], [sflag:$0x3] =	stream.linear.gather [hbm4b:s11+s4], $0x80, $0x38;
	[tilespmem:$0x1E820] =	vst v63  }
0x82: {  	_ = 	snop  }
0x83: {  	[tilespmem:s18], [sflag:$0x1] =	stream.indirect.gather [hbm4b:s1+s20], $0x80, s26, s20, $0xb8;
	[tilespmem:$0x1E820] =	vst v63  }
0x84: {  	_ =	swait.ge [sflag:s24], $0x80  }
0x85: {  	[sflag:s24] =	ssyncset.done $0x0  }
0x86: {  	[sflag:s24] =	ssyncadd.s32 $0xFFFFFF80  }
0x87: {  	_ =	swait.ge [sflag:s25], $0x4000  }
0x88: {  	[sflag:s25] =	ssyncset.done $0x0  }
0x89: {  	[sflag:s25] =	ssyncadd.s32 $0xFFFFC000  }
0x8a: {  	[spmem:s3] =	stream.indirect.scatter.add.f32 [tilespmem:s21], [sflag:$0x5], $0x80, s19, s20, $0xb8;
	[tilespmem:$0x1E820] =	vst v63  }
0x8b: {  	_ =	swait.ge [sflag:s14], $0x4000  }
0x8c: {  	[sflag:s14] =	ssyncset.done $0x0  }
0x8d: {  	[sflag:s14] =	ssyncadd.s32 $0xFFFFC000  }
0x8e: {  	_ =	swait.ge [sflag:s22], $0x80  }
0x8f: {  	[sflag:s22] =	ssyncset.done $0x0  }
0x90: {  	[sflag:s22] =	ssyncadd.s32 $0xFFFFFF80  }
0x91: {  	_ =	swait.ge [sflag:s23], $0x4000  }
0x92: {  	[sflag:s23] =	ssyncset.done $0x0  }
0x93: {  	s8 =	rddreg [dreg:$0x6];
	[sflag:s23] =	ssyncadd.s32 $0xFFFFC000  }
0x94: {  	[tilespmem:s28], [sflag:$0x5] =	stream.linear.gather [hbm4b:s8+s4], $0x10, $0x38;
	[tilespmem:$0x1E820] =	vst v63  }
0x95: {  	_ =	swait.ge [sflag:s14], $0x10  }
0x96: {  	[sflag:s14] =	ssyncset.done $0x0  }
0x97: {  	s30 =	simm.s32 $0x2700;
	[sflag:s14] =	ssyncadd.s32 $0xFFFFFFF0  }
0x98: {  	[tilespmem:s18], [sflag:$0x5] =	stream.indirect.gather [hbm4b:s1+s29], $0x80, s30, s29, $0xb8;
	[tilespmem:$0x1E820] =	vst v63  }
0x99: {  	_ =	swait.ge [sflag:s14], $0x800  }
0x9a: {  	[sflag:s14] =	ssyncset.done $0x0  }
0x9b: {  	[sflag:s14] =	ssyncadd.s32 $0xFFFFF800  }
0x9c: {  	[spmem:s3] =	stream.indirect.scatter.add.f32 [tilespmem:s18], [sflag:$0x5], $0x80, s28, s29, $0xb8;
	[tilespmem:$0x1E820] =	vst v63  }
0x9d: {  	_ =	swait.ge [sflag:s14], $0x800  }
0x9e: {  	s31 =	sadd.s32 $0x1, s31;
	[sflag:s14] =	ssyncset.done $0x0  }
0x9f: {  	p0 =	sne.s32 s31, s10;
	[sflag:s14] =	ssyncadd.s32 $0xFFFFF800  }
.Ltmp1:
0xa0: {  	[bflag:$0x0] =	sbarrier.arrive $0xFFFF;
	(pc) =	sbr.rel @p0 .LBB2_1-.Ltmp1, $4  }
0xa1: {  	[hbm:s9], [sflag:s15] =	dma.local [spmem:s16], $0x2800  }
0xa2: {  	_ =	swait.ge [sflag:s14], $0x2800  }
0xa3: {  	[sflag:s14] =	ssyncset.done $0x0  }
0xa4: {  	[sflag:s14] =	ssyncadd.s32 $0xFFFFD800  }
0xa5: {  	_ =	sfence.sel $0x180000  }
0xa6: {  	[bflag:$0x0] =	sbarrier.arrive $0xFFFF  }
0xa7: {  	_ =	strace $0x9000004D  }
0xa8: {  	s0 =	stileid.u32;
	[bflag:$0x2] =	sbarrier.arrive $0xFFFF  }
0xa9: {  	p0 =	sne.s32 s0, $0x0;
	s0 =	rddreg [dreg:$0x3]  }
0xaa: {  	s0 =	sadd.s32 @!p0 $0x100000, s0  }
0xab: {  	[sflag:s0] =	ssyncadd.tile.s32 @!p0 $0x1;
	_ =	shalt  }
.Lfunc_end2:
_tile_overlayer_lowered:
.L_overlay_start_2:
0xac: {  	(tag) =	ssettag $0x2  }
0xad: {  	s0 =	rddreg [dreg:$0x0];
	s2 =	stileid.u32  }
0xae: {  	s1 =	rddreg [dreg:$0x1];
	p0 =	sne.s32 s2, $0x0  }
0xaf: {  	s3 =	rddreg [dreg:$0x2];
	[bflag:$0x3] =	sbarrier.arrive $0xFFFF;
	s2 =	simm.s32 @!p0 $0x1C05  }
0xb0: {  	[timem:s3], [sflag:s2] =	dma.local @!p0 [hbm:s0], s1  }
0xb1: {  	s0 =	simm.s32 @!p0 $0x5  }
0xb2: {  	_ =	swait.ge @!p0 [sflag:s0], s1  }
0xb3: {  	s1 =	ssub.s32 @!p0 $0x0, s1;
	[sflag:s0] =	ssyncset.done @!p0 $0x0  }
0xb4: {  	[sflag:s0] =	ssyncadd.s32 @!p0 s1  }
0xb5: {  	[bflag:$0x3] =	sbarrier.arrive $0xFFFF  }
0xb6: {  	_ =	shalt  }

// kernel: kernel.9.cloned.1.call-start
scs
__scs_entry_jumppad:
0x0: {  	(pc) =	sbr.rel $0x88, $3  }
0x1: {  	(tag) =	ssettag $0x0;
	lr =	simm.s32 $0x1  }
0x2: {  	[smem:$0x3F9B] =	sst lr;
	_ =	strace $0xD0000000  }
0x3: {  	_ = 	snop  }
0x4: {  	_ = 	snop  }
0x5: {  	_ = 	snop  }
0x6: {  	_ = 	snop  }
0x7: {  	_ = 	snop  }
__scs_overlays_trampoline_lowered:
0x8: {  	[smem:$0x3FAA] =	sst s0  }
0x9: {  	[smem:$0x3FAB] =	sst s1  }
0xa: {  	[smem:$0x3FAC] =	sst s2  }
0xb: {  	[smem:$0x3FAD] =	sst s3  }
0xc: {  	[smem:$0x3FAE] =	sst s4  }
0xd: {  	[smem:$0x3FAF] =	sst s5  }
0xe: {  	[smem:$0x3FB0] =	sst s6  }
0xf: {  	[smem:$0x3FB1] =	sst s7  }
0x10: {  	[smem:$0x3FB2] =	sst s8  }
0x11: {  	[smem:$0x3FB3] =	sst s9;
	s0 =	simm.s32 @!p0 $0x0  }
0x12: {  	s1 =	sld [smem:$0x3F99];
	s0 =	simm.s32 @p0 $0x1  }
0x13: {  	[smem:$0x3FB4] =	sst s0;
	s0 =	simm.s32 @!p1 $0x0  }
0x14: {  	s2 =	sld [smem:$0x3F98];
	s0 =	simm.s32 @p1 $0x1  }
0x15: {  	[smem:$0x3FB5] =	sst s0;
	s0 =	simm.s32 @!p2 $0x0  }
0x16: {  	s3 =	sld [smem:$0x3FDB];
	s0 =	simm.s32 @p2 $0x1  }
0x17: {  	s4 =	simm.s32 $0x1BF5;
	[smem:$0x3FB7] =	sst s0  }
0x18: {  	s0 =	sld [smem:$0x3F9A];
	_ =	swait.ge [sflag:s4], $0x0  }
0x19: {  	s7 =	sld [smem:$0x3F9B]  }
0x1a: {  	s8 =	sadd.s32 $0xFFFFE003, lr  }
0x1b: {  	s9 =	sadd.s32 $0xFFFFFEF7, lr;
	s5 =	simm.s32 $0xFFFFFFFF;
	p2 =	slt.u32 s8, $0xFFFFF086  }
0x1c: {  	p1 =	slt.u32 s9, $0xF7A;
	s5 =	simm.s32 @!p2 $0x0  }
0x1d: {  	s5 =	simm.s32 @p1 $0x1;
	p0 =	seq.s32 s7, s2  }
0x1e: {  	s7 =	smul.u32 @!p0 $0xF7A, s2;
	p2 =	seq.s32 @!p0 s5, $0x0  }
0x1f: {  	s9 =	smul.u32 $0xF7A, s1;
	s8 =	simm.s32 @!p0 $0x1BF5;
	p2 =	por !p2, p0  }
0x20: {  	[sflag:s8] =	ssyncset.s32 @!p0 $0xFFFFF086;
	s6 =	sadd.s32 @!p0 s3, s7;
	s7 =	simm.s32 @!p0 $0x108  }
0x21: {  	s3 =	sadd.s32 s3, s9;
	s6 =	sadd.s32 @!p0 $0x88, s6;
	s7 =	simm.s32 @p2 $0x1082  }
0x22: {  	[simem:s7], [sflag:s8] =	dma.local @!p0 [hbm:s6], $0xF7A  }
0x23: {  	s9 =	sor.u32 $0xD0000000, s2;
	s6 =	simm.s32 $0x108;
	_ =	swait.ge @!p0 [sflag:s8], $0x0  }
0x24: {  	s3 =	sadd.s32 $0x88, s3;
	s6 =	simm.s32 @!p1 $0x1082;
	[sflag:s4] =	ssyncset.s32 $0xFFFFF086  }
0x25: {  	[simem:s6], [sflag:s4] =	dma.local [hbm:s3], $0xF7A  }
0x26: {  	[smem:$0x3F9B] =	sst s1;
	(tag) =	ssettag s2;
	_ =	strace s9  }
0x27: {  	s1 =	sld [smem:$0x3FAB]  }
0x28: {  	s2 =	sld [smem:$0x3FAC]  }
0x29: {  	s4 =	sld [smem:$0x3FAE]  }
0x2a: {  	p0 =	seq.s32 s5, $0x0;
	s5 =	sld [smem:$0x3FAF]  }
0x2b: {  	s6 =	sld [smem:$0x3FB0]  }
0x2c: {  	s7 =	sld [smem:$0x3FB1]  }
0x2d: {  	s3 =	simm.s32 $0x108;
	s8 =	sld [smem:$0x3FB2]  }
0x2e: {  	s3 =	simm.s32 @!p0 $0x1082;
	s9 =	sld [smem:$0x3FB3]  }
0x2f: {  	lr =	sadd.s32 s0, s3;
	s0 =	sld [smem:$0x3FAA]  }
0x30: {  	s3 =	sld [smem:$0x3FAD]  }
0x31: {  	[smem:$0x3FB6] =	sst s10  }
0x32: {  	s10 =	sld [smem:$0x3FB4];
	_ =	sdelay $0x3  }
0x33: {  	p0 =	seq.s32 s10, $0x1;
	s10 =	sld [smem:$0x3FB6];
	_ =	sdelay $0x3  }
0x34: {  	[smem:$0x3FB6] =	sst s10  }
0x35: {  	s10 =	sld [smem:$0x3FB5];
	_ =	sdelay $0x3  }
0x36: {  	p1 =	seq.s32 s10, $0x1;
	s10 =	sld [smem:$0x3FB6];
	_ =	sdelay $0x3  }
0x37: {  	[smem:$0x3FB6] =	sst s10  }
0x38: {  	s10 =	sld [smem:$0x3FB7]  }
0x39: {  	_ = 	snop;
	(pc) =	sbr.ind lr, $3  }
0x3a: {  	_ = 	snop  }
0x3b: {  	_ = 	snop  }
0x3c: {  	p2 =	seq.s32 s10, $0x1;
	s10 =	sld [smem:$0x3FB6]  }
0x3d: {  	_ =	shalt  }
0x3e: {  	_ =	shalt  }
0x3f: {  	_ =	shalt  }
0x40: {  	_ =	shalt  }
0x41: {  	_ =	shalt  }
0x42: {  	_ =	shalt  }
0x43: {  	_ =	shalt  }
0x44: {  	_ =	shalt  }
0x45: {  	_ =	shalt  }
0x46: {  	_ =	shalt  }
0x47: {  	_ =	shalt  }
0x48: {  	_ =	shalt  }
0x49: {  	_ =	shalt  }
0x4a: {  	_ =	shalt  }
0x4b: {  	_ =	shalt  }
0x4c: {  	_ =	shalt  }
0x4d: {  	_ =	shalt  }
0x4e: {  	_ =	shalt  }
0x4f: {  	_ =	shalt  }
0x50: {  	_ =	shalt  }
0x51: {  	_ =	shalt  }
0x52: {  	_ =	shalt  }
0x53: {  	_ =	shalt  }
0x54: {  	_ =	shalt  }
0x55: {  	_ =	shalt  }
0x56: {  	_ =	shalt  }
0x57: {  	_ =	shalt  }
0x58: {  	_ =	shalt  }
0x59: {  	_ =	shalt  }
0x5a: {  	_ =	shalt  }
0x5b: {  	_ =	shalt  }
0x5c: {  	_ =	shalt  }
0x5d: {  	_ =	shalt  }
0x5e: {  	_ =	shalt  }
0x5f: {  	_ =	shalt  }
0x60: {  	_ =	shalt  }
0x61: {  	_ =	shalt  }
0x62: {  	_ =	shalt  }
0x63: {  	_ =	shalt  }
0x64: {  	_ =	shalt  }
0x65: {  	_ =	shalt  }
0x66: {  	_ =	shalt  }
0x67: {  	_ =	shalt  }
0x68: {  	_ =	shalt  }
0x69: {  	_ =	shalt  }
0x6a: {  	_ =	shalt  }
0x6b: {  	_ =	shalt  }
0x6c: {  	_ =	shalt  }
0x6d: {  	_ =	shalt  }
0x6e: {  	_ =	shalt  }
0x6f: {  	_ =	shalt  }
0x70: {  	_ =	shalt  }
0x71: {  	_ =	shalt  }
0x72: {  	_ =	shalt  }
0x73: {  	_ =	shalt  }
0x74: {  	_ =	shalt  }
0x75: {  	_ =	shalt  }
0x76: {  	_ =	shalt  }
0x77: {  	_ =	shalt  }
0x78: {  	_ =	shalt  }
0x79: {  	_ =	shalt  }
0x7a: {  	_ =	shalt  }
0x7b: {  	_ =	shalt  }
0x7c: {  	_ =	shalt  }
0x7d: {  	_ =	shalt  }
0x7e: {  	_ =	shalt  }
0x7f: {  	_ =	shalt  }
0x80: {  	_ =	shalt  }
0x81: {  	_ =	shalt  }
0x82: {  	_ =	shalt  }
0x83: {  	_ =	shalt  }
0x84: {  	_ =	shalt  }
0x85: {  	_ =	shalt  }
0x86: {  	_ =	shalt  }
0x87: {  	_ =	shalt  }
.Lfunc_end0:
.L_simem_size_0:
called_computation_lowered:
.L_overlay_start_0:
0x88: {  	s2 =	sld [smem:$0x3FD9]  }
0x89: {  	s3 =	sld [smem:$0x3FFE];
	_ =	sdelay $0x1  }
0x8a: {  	s1 =	srdreg.scid  }
0x8b: {  	s0 =	sand.u32 $0x1, s1  }
0x8c: {  	s17 =	sshll.u32 s0, $0xA;
	s2 =	sadd.s32 s3, s2  }
0x8d: {  	s2 =	sadd.s32 s2, s17  }
0x8e: {  	[smem:$0x3FC2] =	sst s2  }
0x8f: {  	_ = 	snop  }
0x90: {  	s2 =	sld [smem:$0x3FD0];
	(tm) =	ssettm $0x1  }
0x91: {  	s18 =	sld [smem:$0x3FFB];
	_ =	sdelay $0x3  }
0x92: {  	_ =	strace s18  }
0x93: {  	s3 =	sld [smem:$0x3FFC];
	_ =	sdelay $0x3  }
0x94: {  	_ =	strace s3  }
0x95: {  	s3 =	sld [smem:$0x3FFD];
	_ =	sdelay $0x3  }
0x96: {  	_ =	strace s3  }
0x97: {  	_ =	strace $0x8FFFFFFF  }
0x98: {  	s19 =	sld [smem:$0x3FDB];
	_ =	sdelay $0x1  }
0x99: {  	s4 =	simm.s32 $_scs_section_size  }
0x9a: {  	s5 =	simm.s32 $_size__tile_overlayer_lowered;
	s6 =	simm.s32 $_tile_overlayer_lowered  }
0x9b: {  	s22 =	simm.s32 $0x1BFF;
	s21 =	sshll.u32 s6, $0x1;
	s3 =	sadd.s32 s4, s19  }
0x9c: {  	s7 =	simm.s32 $0x0;
	s20 =	sshll.u32 s5, $0x1;
	s5 =	sadd.s32 s21, s3  }
0x9d: {  	[timem:s7], [sflag:s22] =	dma.local [hbm:s5], s20  }
0x9e: {  	_ =	swait.ge [sflag:s22], s20  }
0x9f: {  	s4 =	ssub.s32 $0x0, s20;
	[sflag:s22] =	ssyncset.done $0x0  }
0xa0: {  	[sflag:s22] =	ssyncadd.s32 s4;
	_ =	sdelay $0x1  }
0xa1: {  	s23 =	simm.s32 $0x1B8B  }
0xa2: {  	_ =	swait.ge [sflag:s23], $0x1  }
0xa3: {  	[sflag:s23] =	ssyncset.done $0x0  }
0xa4: {  	s25 =	simm.s32 $0x1B8E;
	s24 =	sld [smem:$0x3FFE];
	[sflag:s23] =	ssyncadd.s32 $0xFFFFFFFF  }
0xa5: {  	s26 =	simm.s32 $execute0_lowered;
	[smem:$0x3FD2] =	sst s25  }
0xa6: {  	s5 =	sshll.u32 s26, $0x1;
	_ =	strace $0x80000046;
	[dreg:$0x1] =	wrdreg $0xFFFFFFFF  }
0xa7: {  	s28 =	simm.s32 $_size_execute0_lowered;
	s3 =	sadd.s32 s3, s5;
	[dreg:$0x0] =	wrdreg $0x0  }
0xa8: {  	s5 =	sshll.u32 s28, $0x1;
	[dreg:$0x2] =	wrdreg s3  }
0xa9: {  	[dreg:$0x3] =	wrdreg s5  }
0xaa: {  	[dreg:$0x4] =	wrdreg $0xC0  }
0xab: {  	_ =	task [dreg:s7], $0x5FFFF  }
0xac: {  	[dreg:$0x1] =	wrdreg $0xFFFFFFFF  }
0xad: {  	[dreg:$0x0] =	wrdreg $0x60  }
0xae: {  	[dreg:$0x2] =	wrdreg s24  }
0xaf: {  	[dreg:$0x3] =	wrdreg s2  }
0xb0: {  	[dreg:$0x4] =	wrdreg $0x56200  }
0xb1: {  	[dreg:$0x5] =	wrdreg $0x7E200  }
0xb2: {  	[dreg:$0x6] =	wrdreg $0x9  }
0xb3: {  	_ =	task.clear_ibuf [dreg:s7], $0x7FFFF;
	_ =	strace $0x90000046  }
0xb4: {  	s29 =	simm.s32 $0x9;
	_ =	strace $0x80000048  }
0xb5: {  	_ =	swait.ge [sflag:s29], $0x1  }
0xb6: {  	[sflag:s29] =	ssyncadd.s32 $0xFFFFFFFF  }
0xb7: {  	_ =	strace $0x90000048  }
0xb8: {  	_ =	sfence  }
0xb9: {  	s30 =	sld [smem:$0x0];
	_ =	sdelay $0x2  }
0xba: {  	s31 =	sshll.u32 s1, $0xD;
	s1 =	sshrl.u32 s1, $0x2  }
0xbb: {  	s3 =	sand.u32 $0x4000, s31;
	s1 =	sadd.s32 s1, s30  }
0xbc: {  	s0 =	sor.u32 s3, s0;
	s1 =	sshll.u32 s1, $0x11  }
0xbd: {  	s0 =	sor.u32 s1, s0  }
0xbe: {  	s0 =	sadd.s32 $0x8F2B, s0  }
0xbf: {  	[sflag:s0] =	ssyncadd.remote.s32 $0x1  }
0xc0: {  	_ =	sfence.sel $0xFFFF  }
0xc1: {  	[dreg:$0x0] =	wrdreg $0xFFFFFFFF;
	(pc) =	sbr.abs _section_cstart, $3  }
0xc2: {  	[dreg:$0x1] =	wrdreg $0xFFFFFFFF  }
0xc3: {  	_ =	task.clear_ibuf [dreg:s7], $0x2FFFF;
	_ =	strace $0x9FFFFFFF  }
0xc4: {  	(tm) =	ssettm $0x7FFFFFFF  }
0xc5: {  	_ =	shalt  }
tec
execute0_lowered:
.L_overlay_start_1:
0x0: {  	(tag) =	ssettag $0x1  }
0x1: {  	s7 =	rddreg [dreg:$0x0]  }
0x2: {  	s9 =	rddreg [dreg:$0x1]  }
0x3: {  	s2 =	rddreg [dreg:$0x2]  }
0x4: {  	s0 =	srdreg.scid;
	s3 =	rddreg [dreg:$0x3]  }
0x5: {  	s4 =	simm.s32 $0x0;
	s18 =	simm.s32 $0x80;
	s19 =	simm.s32 $0x1  }
0x6: {  	s20 =	simm.s32 $0x2;
	s21 =	simm.s32 $0x10;
	s22 =	simm.s32 $0x2700  }
0x7: {  	s23 =	simm.s32 $0x4E10;
	s5 =	sand.u32 $0x1, s0;
	s0 =	stileid.u32  }
0x8: {  	s24 =	simm.s32 $0x0;
	[smem:$0x7FF] =	sst s4;
	s10 =	smul.u32 $0x2800, s0  }
0x9: {  	s1 =	sshll.u32 s5, $0x4;
	s8 =	smul.u32 $0x28000, s5;
	s31 =	ssub.s32 $0x2, s5  }
0xa: {  	s5 =	sadd.s32 $0x16400, s7;
	s15 =	sshll.u32 s0, $0x6;
	s1 =	sor.u32 s0, s1  }
0xb: {  	s13 =	sshrl.u32 s31, $0x1;
	s15 =	sor.u32 $0x1C03, s15;
	s6 =	smul.u32 $0x2710, s1  }
0xc: {  	s1 =	rddreg [dreg:$0x4];
	_ =	strace $0x80000047;
	s30 =	sadd.s32 s10, s8  }
0xd: {  	s13 =	ssub.s32 s31, s13;
	s16 =	sadd.s32 s10, s2;
	s17 =	sadd.s32 s10, s3  }
0xe: {  	s12 =	sshrl.u32 s30, $0x3;
	s16 =	sshrl.u32 s16, $0x3;
	s17 =	sshrl.u32 s17, $0x3  }
0xf: {  	s6 =	sshrl.u32 s6, $0x3;
	s14 =	sadd.s32 s12, s7;
	s9 =	sadd.s32 s9, s12  }
0x10: {  	s12 =	simm.s32 $0x4E20;
	s11 =	sadd.s32 s6, s7;
	s6 =	sadd.s32 $0x16A00, s7  }
0x11: {  	s10 =	sadd.s32 $0x16C00, s14;
	s14 =	simm.s32 $0x2710;
	s7 =	sadd.s32 $0x2A00, s11  }
0x12: {  	s8 =	sadd.s32 $0xC640, s11;
	s11 =	smax.u32 s13, $0x1;
	s13 =	simm.s32 $0x3  }
.LBB2_1:
0x13: {  	[tilespmem:s12], [sflag:$0x3] =	stream.linear.gather [hbm4b:s6+s4], $0x800, $0x38;
	[tilespmem:$0xA620] =	vst v63  }
0x14: {  	_ =	swait.ge [sflag:s13], $0x800  }
0x15: {  	[sflag:s13] =	ssyncset.done $0x0  }
0x16: {  	[sflag:s13] =	ssyncadd.s32 $0xFFFFF800  }
0x17: {  	[tilespmem:s4], [sflag:$0x3] =	stream.linear.gather [hbm4b:s7+s4], $0x2710, $0x38;
	[tilespmem:$0xA620] =	vst v63  }
0x18: {  	_ =	swait.ge [sflag:s13], $0x2710  }
0x19: {  	[sflag:s13] =	ssyncset.done $0x0  }
0x1a: {  	[sflag:s13] =	ssyncadd.s32 $0xFFFFD8F0  }
0x1b: {  	[tilespmem:s14], [sflag:$0x3] =	stream.linear.gather [hbm4b:s8+s4], $0x2710, $0x38;
	[tilespmem:$0xA620] =	vst v63  }
0x1c: {  	_ =	swait.ge [sflag:s13], $0x2710  }
0x1d: {  	[sflag:s13] =	ssyncset.done $0x0  }
0x1e: {  	[sflag:s13] =	ssyncadd.s32 $0xFFFFD8F0  }
0x1f: {  	[spmem:s16], [sflag:s15] =	dma.local [hbm:s5], $0x500  }
0x20: {  	_ =	swait.ge [sflag:s13], $0x500  }
0x21: {  	[sflag:s13] =	ssyncset.done $0x0  }
0x22: {  	[sflag:s13] =	ssyncadd.s32 $0xFFFFFB00  }
0x23: {  	[spmem:s17], [sflag:s15] =	dma.local [hbm:s5], $0x500  }
0x24: {  	_ =	swait.ge [sflag:s13], $0x500  }
0x25: {  	[sflag:s13] =	ssyncset.done $0x0  }
0x26: {  	[sflag:s13] =	ssyncadd.s32 $0xFFFFFB00  }
0x27: {  	s25 =	simm.s32 $0x0;
	[bflag:$0x0] =	sbarrier.arrive $0xFFFF  }
0x28: {  	[spmem:s2] =	stream.indirect.scatter.add.f32 [tilespmem:s12], [sflag:$0x1], $0x10, s25, s18, $0xb8;
	[tilespmem:$0xA620] =	vst v63  }
0x29: {  	s31 =	simm.s32 $0x2710  }
0x2a: {  	[spmem:s3] =	stream.indirect.scatter.add.f32 [tilespmem:s12], [sflag:$0x2], $0x10, s31, s18, $0xb8;
	[tilespmem:$0xA620] =	vst v63  }
0x2b: {  	_ =	swait.ge [sflag:s19], $0x800  }
0x2c: {  	[sflag:s19] =	ssyncset.done $0x0  }
0x2d: {  	[sflag:s19] =	ssyncadd.s32 $0xFFFFF800  }
0x2e: {  	_ =	swait.ge [sflag:s20], $0x800  }
0x2f: {  	s26 =	simm.s32 $0x400;
	s25 =	simm.s32 $0x200;
	[sflag:s20] =	ssyncset.done $0x0  }
.LBB2_2:
0x30: {  	s28 =	sshra.s32 s25, $0x2  }
0x31: {  	[sflag:s20] =	ssyncadd.s32 $0xFFFFF800;
	s25 =	smov.u32 s26;
	s29 =	sadd.s32 $0x200, s26  }
0x32: {  	[spmem:s2] =	stream.indirect.scatter.add.f32 [tilespmem:s12], [sflag:$0x1], $0x10, s28, s18, $0xb8;
	[tilespmem:$0xA620] =	vst v63  }
0x33: {  	p0 =	sne.s32 s26, $0x9A00;
	s26 =	sadd.s32 $0x2710, s28  }
0x34: {  	[spmem:s3] =	stream.indirect.scatter.add.f32 [tilespmem:s12], [sflag:$0x2], $0x10, s26, s18, $0xb8;
	[tilespmem:$0xA620] =	vst v63  }
.Ltmp0:
0x35: {  	_ =	swait.ge [sflag:s19], $0x800;
	(pc) =	sbr.rel @p0 .LBB2_2-.Ltmp0, $4  }
0x36: {  	[sflag:s19] =	ssyncset.done $0x0  }
0x37: {  	[sflag:s19] =	ssyncadd.s32 $0xFFFFF800  }
0x38: {  	_ =	swait.ge [sflag:s20], $0x800  }
0x39: {  	s26 =	smov.u32 s29;
	[sflag:s20] =	ssyncset.done $0x0  }
0x3a: {  	s25 =	sshra.s32 s25, $0x2;
	[sflag:s20] =	ssyncadd.s32 $0xFFFFF800  }
0x3b: {  	[spmem:s2] =	stream.indirect.scatter.add.f32 [tilespmem:s12], [sflag:$0x1], $0x10, s25, s18, $0xb8;
	[tilespmem:$0xA620] =	vst v63  }
0x3c: {  	s25 =	sadd.s32 $0x2710, s25  }
0x3d: {  	[spmem:s3] =	stream.indirect.scatter.add.f32 [tilespmem:s12], [sflag:$0x2], $0x10, s25, s18, $0xb8;
	[tilespmem:$0xA620] =	vst v63  }
0x3e: {  	_ =	swait.ge [sflag:s19], $0x800  }
0x3f: {  	[sflag:s19] =	ssyncset.done $0x0  }
0x40: {  	[sflag:s19] =	ssyncadd.s32 $0xFFFFF800  }
0x41: {  	_ =	swait.ge [sflag:s20], $0x800  }
0x42: {  	[sflag:s20] =	ssyncset.done $0x0  }
0x43: {  	[sflag:s20] =	ssyncadd.s32 $0xFFFFF800  }
0x44: {  	[spmem:s2] =	stream.indirect.scatter.add.f32 [tilespmem:s12], [sflag:$0x1], $0x10, s22, s21, $0xb8;
	[tilespmem:$0xA620] =	vst v63  }
0x45: {  	_ = 	snop  }
0x46: {  	[spmem:s3] =	stream.indirect.scatter.add.f32 [tilespmem:s12], [sflag:$0x2], $0x10, s23, s21, $0xb8;
	[tilespmem:$0xA620] =	vst v63  }
0x47: {  	_ =	swait.ge [sflag:s19], $0x100  }
0x48: {  	[sflag:s19] =	ssyncset.done $0x0  }
0x49: {  	[sflag:s19] =	ssyncadd.s32 $0xFFFFFF00  }
0x4a: {  	_ =	swait.ge [sflag:s20], $0x100  }
0x4b: {  	[sflag:s20] =	ssyncset.done $0x0  }
0x4c: {  	[sflag:s20] =	ssyncadd.s32 $0xFFFFFF00  }
0x4d: {  	[bflag:$0x0] =	sbarrier.arrive $0xFFFF  }
0x4e: {  	[hbm:s9], [sflag:s15] =	dma.local [spmem:s16], $0x500  }
0x4f: {  	s24 =	sadd.s32 $0x1, s24;
	_ =	swait.ge [sflag:s13], $0x500  }
0x50: {  	p0 =	sne.s32 s24, s11;
	[sflag:s13] =	ssyncset.done $0x0  }
.Ltmp1:
0x51: {  	[sflag:s13] =	ssyncadd.s32 $0xFFFFFB00;
	(pc) =	sbr.rel @p0 .LBB2_1-.Ltmp1, $4  }
0x52: {  	[hbm:s10], [sflag:s15] =	dma.local [spmem:s17], $0x500  }
0x53: {  	_ =	swait.ge [sflag:s13], $0x500  }
0x54: {  	[sflag:s13] =	ssyncset.done $0x0  }
0x55: {  	[sflag:s13] =	ssyncadd.s32 $0xFFFFFB00  }
0x56: {  	_ =	sfence.sel $0x180000  }
0x57: {  	[bflag:$0x0] =	sbarrier.arrive $0xFFFF  }
0x58: {  	p0 =	sne.s32 s0, $0x0;
	_ =	strace $0x90000047  }
0x59: {  	s0 =	sadd.s32 @!p0 $0x100000, s1;
	[bflag:$0x2] =	sbarrier.arrive $0xFFFF  }
0x5a: {  	[sflag:s0] =	ssyncadd.tile.s32 @!p0 $0x1;
	_ =	shalt  }
.Lfunc_end2:
_tile_overlayer_lowered:
.L_overlay_start_2:
0x5b: {  	(tag) =	ssettag $0x2  }
0x5c: {  	s0 =	rddreg [dreg:$0x0];
	s2 =	stileid.u32  }
0x5d: {  	s1 =	rddreg [dreg:$0x1];
	p0 =	sne.s32 s2, $0x0  }
0x5e: {  	s3 =	rddreg [dreg:$0x2];
	[bflag:$0x3] =	sbarrier.arrive $0xFFFF;
	s2 =	simm.s32 @!p0 $0x1C03  }
0x5f: {  	[timem:s3], [sflag:s2] =	dma.local @!p0 [hbm:s0], s1  }
0x60: {  	s0 =	simm.s32 @!p0 $0x3  }
0x61: {  	_ =	swait.ge @!p0 [sflag:s0], s1  }
0x62: {  	s1 =	ssub.s32 @!p0 $0x0, s1;
	[sflag:s0] =	ssyncset.done @!p0 $0x0  }
0x63: {  	[sflag:s0] =	ssyncadd.s32 @!p0 s1  }
0x64: {  	[bflag:$0x3] =	sbarrier.arrive $0xFFFF  }
0x65: {  	_ =	shalt  }

</sc_bundles>
